<compile_context>
chip_gen: v7x
topology: tpu7x:2x2x1
jax: 0.10.2.dev20260603
libtpu: 0.0.44.dev20260713+nightly
codegen_flags: <defaults>
</compile_context>

<pallas_src>
import functools

import jax
import jax.numpy as jnp
from jax import lax
from jax.experimental import pallas as pl
from jax.experimental.pallas import tpu as pltpu
from jax.experimental.pallas import tpu_sc as plsc

_NE = 8192
_D = 32
_CC = 0.25
_BM = 256

_NC = 2
_NS = 16
_L = 16
_NW = _NC * _NS
_CH = 128
_DP = 128
_CL = 128


def _argmin_body(a_ref, a2_ref, wt_ref, b2_ref, o_ref):
    a = a_ref[...]
    ab = jnp.dot(a, wt_ref[...])
    sq = a2_ref[...] - 2.0 * ab + b2_ref[...]
    d = jnp.sqrt(jnp.maximum(sq, 0.0))
    m = jnp.min(d, axis=1, keepdims=True)
    lane = lax.broadcasted_iota(jnp.int32, d.shape, 1)
    idx = jnp.min(jnp.where(d == m, lane, jnp.int32(2**30)), axis=1,
                  keepdims=True)
    o_ref[...] = idx


def _nearest_codes(flat, a2, wt, b2):
    n = flat.shape[0]
    grid = n // _BM
    return pl.pallas_call(
        _argmin_body,
        grid=(grid,),
        in_specs=[
            pl.BlockSpec((_BM, _D), lambda i: (i, 0)),
            pl.BlockSpec((_BM, 1), lambda i: (i, 0)),
            pl.BlockSpec((_D, _NE), lambda i: (0, 0)),
            pl.BlockSpec((1, _NE), lambda i: (0, 0)),
        ],
        out_specs=pl.BlockSpec((_BM, 1), lambda i: (i, 0)),
        out_shape=jax.ShapeDtypeStruct((n, 1), jnp.int32),
        compiler_params=pltpu.CompilerParams(
            dimension_semantics=("arbitrary",)),
    )(flat, a2, wt, b2)


@functools.cache
def _sc_gather_hist(n):
    rows_per_w = n // _CH // _NW
    hrows = n // _CH // _NS
    ne_per_s = _NE // _NS
    mesh = plsc.VectorSubcoreMesh(core_axis_name="c", subcore_axis_name="s")

    @functools.partial(
        pl.kernel,
        out_type=(
            jax.ShapeDtypeStruct((n, _DP), jnp.float32),
            jax.ShapeDtypeStruct((_NE, _CL), jnp.float32),
        ),
        mesh=mesh,
        scratch_types=[
            pltpu.VMEM((rows_per_w, _CH), jnp.int32),
            pltpu.VMEM((hrows, _CH), jnp.int32),
            pltpu.VMEM((_CH, _DP), jnp.float32),
            pltpu.VMEM((_CH, _CL), jnp.float32),
            pltpu.VMEM_SHARED((_NE, _CL), jnp.float32),
            pltpu.SemaphoreType.DMA,
        ],
    )
    def k(w_hbm, idx_hbm, q_hbm, cnt_hbm, idx_v, idx_h, rows_v, fill_v,
          cnt_sh, sem):
        core = lax.axis_index("c")
        sid = lax.axis_index("s")
        wid = sid * _NC + core

        pltpu.sync_copy(idx_hbm.at[pl.ds(wid * rows_per_w, rows_per_w)],
                        idx_v)
        for c in range(rows_per_w):
            pltpu.async_copy(w_hbm.at[idx_v.at[c]], rows_v, sem).wait()
            pltpu.sync_copy(
                rows_v, q_hbm.at[pl.ds((wid * rows_per_w + c) * _CH, _CH)])

        @pl.when(core == 0)
        def _():
            @pl.loop(0, _CH)
            def _(i):
                @pl.loop(0, _CL, step=_L)
                def _(j):
                    fill_v[i, pl.ds(j, _L)] = jnp.zeros((_L,), jnp.float32)

            @pl.loop(0, ne_per_s, step=_CH)
            def _(i):
                pltpu.sync_copy(fill_v,
                                cnt_sh.at[pl.ds(sid * ne_per_s + i, _CH)])

            pltpu.sync_copy(idx_hbm.at[pl.ds(sid * hrows, hrows)], idx_h)

            @pl.loop(0, _CH)
            def _(i):
                @pl.loop(0, _CL, step=_L)
                def _(j):
                    fill_v[i, pl.ds(j, _L)] = jnp.ones((_L,), jnp.float32)

            plsc.subcore_barrier()
            for c in range(hrows):
                pltpu.sync_copy(fill_v, cnt_sh.at[idx_h.at[c]], add=True)
            plsc.subcore_barrier()

            @pl.loop(0, ne_per_s, step=_CH)
            def _(i):
                pltpu.sync_copy(
                    cnt_sh.at[pl.ds(sid * ne_per_s + i, _CH)],
                    cnt_hbm.at[pl.ds(sid * ne_per_s + i, _CH)])

    return k


def _finish_body(x_ref, q_ref, c_ref, st_ref, loss_ref, perp_ref):
    x = x_ref[...]
    q = q_ref[...][:, :_D]
    st_ref[...] = x + (q - x)
    diff = q - x
    m = jnp.sum(diff * diff) * (1.0 / diff.size)
    loss_ref[...] = jnp.reshape(m + _CC * m, (1, 1))
    p = c_ref[...][:, 0:1] * (1.0 / x_ref.shape[0])
    ent = -jnp.sum(p * jnp.log(p + 1e-10))
    perp_ref[...] = jnp.reshape(jnp.exp(ent), (1, 1))


def _finish(flat, quant, counts):
    n = flat.shape[0]
    return pl.pallas_call(
        _finish_body,
        in_specs=[
            pl.BlockSpec((n, _D), lambda: (0, 0)),
            pl.BlockSpec((n, _DP), lambda: (0, 0)),
            pl.BlockSpec((_NE, _CL), lambda: (0, 0)),
        ],
        out_shape=(
            jax.ShapeDtypeStruct(flat.shape, jnp.float32),
            jax.ShapeDtypeStruct((1, 1), jnp.float32),
            jax.ShapeDtypeStruct((1, 1), jnp.float32),
        ),
    )(flat, quant, counts)


def kernel(inputs, weight):
    flat = inputs.reshape(-1, _D)
    n = flat.shape[0]
    a2 = jnp.sum(flat * flat, axis=1, keepdims=True)
    b2 = jnp.sum(weight * weight, axis=1)[None, :]
    wt = weight.T
    idx = _nearest_codes(flat, a2, wt, b2)
    idx_rows = idx.reshape(n // _CH, _CH)
    wpad = jnp.concatenate(
        [weight, jnp.zeros((_NE, _DP - _D), jnp.float32)], axis=1)
    quant, counts = _sc_gather_hist(n)(wpad, idx_rows)
    st, loss, perp = _finish(flat, quant, counts)
    return (loss[0, 0], st.reshape(inputs.shape), perp[0, 0], idx)

# --- scband reference (transcript-rebuilt; emitter-appended) ---
"""Pipeline reference for scband-vector-quantizer-67645734912598 (READ-ONLY COPY).

The authoritative reference and input builder live on the scoring server;
editing this copy changes nothing except your own understanding.
"""

import jax, jax.numpy as jnp
import numpy as np

NUM_EMBEDDINGS = 8192
EMBEDDING_DIM = 32
COMMITMENT_COST = 0.25


def setup_inputs(seed: int = 0) -> dict:
    key = jax.random.key(seed)
    k1, k2 = jax.random.split(key)
    inputs = jax.random.normal(k1, (16, 1024, EMBEDDING_DIM), dtype=jnp.float32)
    weight = jax.random.uniform(
        k2, (NUM_EMBEDDINGS, EMBEDDING_DIM), dtype=jnp.float32,
        minval=-1.0 / NUM_EMBEDDINGS, maxval=1.0 / NUM_EMBEDDINGS)
    return {"inputs": inputs, "weight": weight}


def _cdist(a, b):
    a2 = jnp.sum(a * a, axis=1, keepdims=True)
    b2 = jnp.sum(b * b, axis=1)[None, :]
    sq = a2 - 2.0 * (a @ b.T) + b2
    return jnp.sqrt(jnp.maximum(sq, 0.0))


def reference(inputs, weight):
    flat_inputs = inputs.reshape(-1, EMBEDDING_DIM)
    distances = _cdist(flat_inputs, weight)
    encoding_indices = jnp.argmin(distances, axis=1)[:, None]
    n = flat_inputs.shape[0]
    encodings = jnp.zeros((n, NUM_EMBEDDINGS), dtype=jnp.float32)
    encodings = encodings.at[jnp.arange(n), encoding_indices[:, 0]].set(1.0)
    quantized = (encodings @ weight).reshape(inputs.shape)
    e_latent_loss = jnp.mean((jax.lax.stop_gradient(quantized) - inputs) ** 2)
    q_latent_loss = jnp.mean((quantized - jax.lax.stop_gradient(inputs)) ** 2)
    loss = q_latent_loss + COMMITMENT_COST * e_latent_loss
    quantized_st = inputs + jax.lax.stop_gradient(quantized - inputs)
    avg_probs = jnp.mean(encodings, axis=0)
    perplexity = jnp.exp(-jnp.sum(avg_probs * jnp.log(avg_probs + 1e-10)))
    return (loss, quantized_st, perplexity, encoding_indices)

if __name__ == "__main__":
    import jax
    _d = setup_inputs()
    print(jax.jit(kernel)(*tuple(_d.values())))

</pallas_src>

<mosaic_0001>
#map = affine_map<(d0, d1) -> (0, 0)>
module attributes {stable_mosaic.version = 14 : i64} {
  func.func @k(%arg0: i32, %arg1: i32, %arg2: memref<8192x128xf32, #tpu.memory_space<hbm>>, %arg3: memref<128x128xi32, #tpu.memory_space<hbm>>, %arg4: memref<16384x128xf32, #tpu.memory_space<hbm>>, %arg5: memref<8192x128xf32, #tpu.memory_space<hbm>>, %arg6: memref<4x128xi32, #tpu.memory_space<vmem>>, %arg7: memref<8x128xi32, #tpu.memory_space<vmem>>, %arg8: memref<128x128xf32, #tpu.memory_space<vmem>>, %arg9: memref<128x128xf32, #tpu.memory_space<vmem>>, %arg10: memref<8192x128xf32, #tpu.memory_space<vmem_shared>>, %arg11: memref<!tpu.dma_semaphore, #tpu.memory_space<semaphore_mem>>) attributes {dimension_semantics = [#tpu.dimension_semantics<core_parallel>, #tpu.dimension_semantics<subcore_parallel>], iteration_bounds = array<i64: 2, 16>, scalar_prefetch = 0 : i64, scratch_operands = 6 : i64, tpu.core_type = #tpu.core_type<sc_vector_subcore>, window_params = [{transform_indices = #map}, {transform_indices = #map}, {transform_indices = #map}, {transform_indices = #map}]} {
    %mul3A = arith.constant 2 : i32
    %mul3A_0 = arith.muli %arg1, %mul3A : i32
    %add3A = arith.addi %mul3A_0, %arg0 : i32
    %mul3A_1 = arith.constant 4 : i32
    %mul3A_2 = arith.muli %add3A, %mul3A_1 : i32
    "tpu.region"() ({
      %run_scoped3A = tpu.sem_alloc : memref<!tpu.dma_semaphore, #tpu.memory_space<semaphore_mem>>
      %dma_start3A_83 = arith.constant 0 : i32
      %dma_start3A_84 = tpu.memref_slice %arg3[%mul3A_2, %dma_start3A_83] : memref<128x128xi32, #tpu.memory_space<hbm>> -> memref<4x128xi32, #tpu.memory_space<hbm>>
      %dma_start3A_85 = arith.constant 0 : i32
      %dma_start3A_86 = tpu.memref_slice %arg3[%mul3A_2, %dma_start3A_85] : memref<128x128xi32, #tpu.memory_space<hbm>> -> memref<4x128xi32, #tpu.memory_space<hbm>>
      tpu.enqueue_dma source(%dma_start3A_86 : memref<4x128xi32, #tpu.memory_space<hbm>>) target(%arg6 : memref<4x128xi32, #tpu.memory_space<vmem>>) target_semaphore(%run_scoped3A : memref<!tpu.dma_semaphore, #tpu.memory_space<semaphore_mem>>)
      %dma_wait3A_87 = arith.constant 0 : i32
      %dma_wait3A_88 = tpu.memref_slice %arg3[%mul3A_2, %dma_wait3A_87] : memref<128x128xi32, #tpu.memory_space<hbm>> -> memref<4x128xi32, #tpu.memory_space<hbm>>
      %dma_wait3A_89 = arith.constant 0 : i32
      %dma_wait3A_90 = tpu.memref_slice %arg3[%mul3A_2, %dma_wait3A_89] : memref<128x128xi32, #tpu.memory_space<hbm>> -> memref<4x128xi32, #tpu.memory_space<hbm>>
      tpu.wait_dma2 semaphore(%run_scoped3A : memref<!tpu.dma_semaphore, #tpu.memory_space<semaphore_mem>>) src(%dma_wait3A_90 : memref<4x128xi32, #tpu.memory_space<hbm>>) dst(%arg6 : memref<4x128xi32, #tpu.memory_space<vmem>>)
      tpu.yield
    }) : () -> ()
    %dma_start3A = arith.constant 0 : i32
    %dma_start3A_3 = arith.constant 0 : i32
    %dma_start3A_4 = tpu.memref_slice %arg6[%dma_start3A, %dma_start3A_3] : memref<4x128xi32, #tpu.memory_space<vmem>> -> memref<1x128xi32, #tpu.memory_space<vmem>>
    %dma_start3A_5 = tpu.memref_squeeze %dma_start3A_4 : memref<1x128xi32, #tpu.memory_space<vmem>> -> memref<128xi32, #tpu.memory_space<vmem>>
    %dma_start3A_6 = arith.constant 0 : i32
    %dma_start3A_7 = arith.constant 0 : i32
    %dma_start3A_8 = tpu.memref_slice %arg2[%dma_start3A_6, %dma_start3A_7] : memref<8192x128xf32, #tpu.memory_space<hbm>> -> memref<8192x128xf32, #tpu.memory_space<hbm>>
    tpu.enqueue_indirect_dma source(%dma_start3A_8 : memref<8192x128xf32, #tpu.memory_space<hbm>>) target(%arg8 : memref<128x128xf32, #tpu.memory_space<vmem>>) offsets(%dma_start3A_5 : memref<128xi32, #tpu.memory_space<vmem>>) semaphore(%arg11 : memref<!tpu.dma_semaphore, #tpu.memory_space<semaphore_mem>>)
    %dma_wait3A = arith.constant 0 : i32
    %dma_wait3A_9 = arith.constant 0 : i32
    %dma_wait3A_10 = tpu.memref_slice %arg6[%dma_wait3A, %dma_wait3A_9] : memref<4x128xi32, #tpu.memory_space<vmem>> -> memref<1x128xi32, #tpu.memory_space<vmem>>
    %dma_wait3A_11 = tpu.memref_squeeze %dma_wait3A_10 : memref<1x128xi32, #tpu.memory_space<vmem>> -> memref<128xi32, #tpu.memory_space<vmem>>
    %dma_wait3A_12 = arith.constant 0 : i32
    %dma_wait3A_13 = arith.constant 0 : i32
    %dma_wait3A_14 = tpu.memref_slice %arg2[%dma_wait3A_12, %dma_wait3A_13] : memref<8192x128xf32, #tpu.memory_space<hbm>> -> memref<8192x128xf32, #tpu.memory_space<hbm>>
    tpu.wait_indirect_dma semaphore(%arg11 : memref<!tpu.dma_semaphore, #tpu.memory_space<semaphore_mem>>) src(%dma_wait3A_14 : memref<8192x128xf32, #tpu.memory_space<hbm>>) dst(%arg8 : memref<128x128xf32, #tpu.memory_space<vmem>>)
    %mul3A_15 = arith.constant 4 : i32
    %mul3A_16 = arith.muli %add3A, %mul3A_15 : i32
    %add3A_17 = arith.constant 0 : i32
    %add3A_18 = arith.addi %mul3A_16, %add3A_17 : i32
    %mul3A_19 = arith.constant 128 : i32
    %mul3A_20 = arith.muli %add3A_18, %mul3A_19 : i32
    "tpu.region"() ({
      %run_scoped3A = tpu.sem_alloc : memref<!tpu.dma_semaphore, #tpu.memory_space<semaphore_mem>>
      %dma_start3A_83 = arith.constant 0 : i32
      %dma_start3A_84 = tpu.memref_slice %arg4[%mul3A_20, %dma_start3A_83] : memref<16384x128xf32, #tpu.memory_space<hbm>> -> memref<128x128xf32, #tpu.memory_space<hbm>>
      %dma_start3A_85 = arith.constant 0 : i32
      %dma_start3A_86 = tpu.memref_slice %arg4[%mul3A_20, %dma_start3A_85] : memref<16384x128xf32, #tpu.memory_space<hbm>> -> memref<128x128xf32, #tpu.memory_space<hbm>>
      tpu.enqueue_dma source(%arg8 : memref<128x128xf32, #tpu.memory_space<vmem>>) target(%dma_start3A_86 : memref<128x128xf32, #tpu.memory_space<hbm>>) target_semaphore(%run_scoped3A : memref<!tpu.dma_semaphore, #tpu.memory_space<semaphore_mem>>)
      %dma_wait3A_87 = arith.constant 0 : i32
      %dma_wait3A_88 = tpu.memref_slice %arg4[%mul3A_20, %dma_wait3A_87] : memref<16384x128xf32, #tpu.memory_space<hbm>> -> memref<128x128xf32, #tpu.memory_space<hbm>>
      %dma_wait3A_89 = arith.constant 0 : i32
      %dma_wait3A_90 = tpu.memref_slice %arg4[%mul3A_20, %dma_wait3A_89] : memref<16384x128xf32, #tpu.memory_space<hbm>> -> memref<128x128xf32, #tpu.memory_space<hbm>>
      tpu.wait_dma2 semaphore(%run_scoped3A : memref<!tpu.dma_semaphore, #tpu.memory_space<semaphore_mem>>) src(%arg8 : memref<128x128xf32, #tpu.memory_space<vmem>>) dst(%dma_wait3A_90 : memref<128x128xf32, #tpu.memory_space<hbm>>)
      tpu.yield
    }) : () -> ()
    %dma_start3A_21 = arith.constant 1 : i32
    %dma_start3A_22 = arith.constant 0 : i32
    %dma_start3A_23 = tpu.memref_slice %arg6[%dma_start3A_21, %dma_start3A_22] : memref<4x128xi32, #tpu.memory_space<vmem>> -> memref<1x128xi32, #tpu.memory_space<vmem>>
    %dma_start3A_24 = tpu.memref_squeeze %dma_start3A_23 : memref<1x128xi32, #tpu.memory_space<vmem>> -> memref<128xi32, #tpu.memory_space<vmem>>
    %dma_start3A_25 = arith.constant 0 : i32
    %dma_start3A_26 = arith.constant 0 : i32
    %dma_start3A_27 = tpu.memref_slice %arg2[%dma_start3A_25, %dma_start3A_26] : memref<8192x128xf32, #tpu.memory_space<hbm>> -> memref<8192x128xf32, #tpu.memory_space<hbm>>
    tpu.enqueue_indirect_dma source(%dma_start3A_27 : memref<8192x128xf32, #tpu.memory_space<hbm>>) target(%arg8 : memref<128x128xf32, #tpu.memory_space<vmem>>) offsets(%dma_start3A_24 : memref<128xi32, #tpu.memory_space<vmem>>) semaphore(%arg11 : memref<!tpu.dma_semaphore, #tpu.memory_space<semaphore_mem>>)
    %dma_wait3A_28 = arith.constant 1 : i32
    %dma_wait3A_29 = arith.constant 0 : i32
    %dma_wait3A_30 = tpu.memref_slice %arg6[%dma_wait3A_28, %dma_wait3A_29] : memref<4x128xi32, #tpu.memory_space<vmem>> -> memref<1x128xi32, #tpu.memory_space<vmem>>
    %dma_wait3A_31 = tpu.memref_squeeze %dma_wait3A_30 : memref<1x128xi32, #tpu.memory_space<vmem>> -> memref<128xi32, #tpu.memory_space<vmem>>
    %dma_wait3A_32 = arith.constant 0 : i32
    %dma_wait3A_33 = arith.constant 0 : i32
    %dma_wait3A_34 = tpu.memref_slice %arg2[%dma_wait3A_32, %dma_wait3A_33] : memref<8192x128xf32, #tpu.memory_space<hbm>> -> memref<8192x128xf32, #tpu.memory_space<hbm>>
    tpu.wait_indirect_dma semaphore(%arg11 : memref<!tpu.dma_semaphore, #tpu.memory_space<semaphore_mem>>) src(%dma_wait3A_34 : memref<8192x128xf32, #tpu.memory_space<hbm>>) dst(%arg8 : memref<128x128xf32, #tpu.memory_space<vmem>>)
    %mul3A_35 = arith.constant 4 : i32
    %mul3A_36 = arith.muli %add3A, %mul3A_35 : i32
    %add3A_37 = arith.constant 1 : i32
    %add3A_38 = arith.addi %mul3A_36, %add3A_37 : i32
    %mul3A_39 = arith.constant 128 : i32
    %mul3A_40 = arith.muli %add3A_38, %mul3A_39 : i32
    "tpu.region"() ({
      %run_scoped3A = tpu.sem_alloc : memref<!tpu.dma_semaphore, #tpu.memory_space<semaphore_mem>>
      %dma_start3A_83 = arith.constant 0 : i32
      %dma_start3A_84 = tpu.memref_slice %arg4[%mul3A_40, %dma_start3A_83] : memref<16384x128xf32, #tpu.memory_space<hbm>> -> memref<128x128xf32, #tpu.memory_space<hbm>>
      %dma_start3A_85 = arith.constant 0 : i32
      %dma_start3A_86 = tpu.memref_slice %arg4[%mul3A_40, %dma_start3A_85] : memref<16384x128xf32, #tpu.memory_space<hbm>> -> memref<128x128xf32, #tpu.memory_space<hbm>>
      tpu.enqueue_dma source(%arg8 : memref<128x128xf32, #tpu.memory_space<vmem>>) target(%dma_start3A_86 : memref<128x128xf32, #tpu.memory_space<hbm>>) target_semaphore(%run_scoped3A : memref<!tpu.dma_semaphore, #tpu.memory_space<semaphore_mem>>)
      %dma_wait3A_87 = arith.constant 0 : i32
      %dma_wait3A_88 = tpu.memref_slice %arg4[%mul3A_40, %dma_wait3A_87] : memref<16384x128xf32, #tpu.memory_space<hbm>> -> memref<128x128xf32, #tpu.memory_space<hbm>>
      %dma_wait3A_89 = arith.constant 0 : i32
      %dma_wait3A_90 = tpu.memref_slice %arg4[%mul3A_40, %dma_wait3A_89] : memref<16384x128xf32, #tpu.memory_space<hbm>> -> memref<128x128xf32, #tpu.memory_space<hbm>>
      tpu.wait_dma2 semaphore(%run_scoped3A : memref<!tpu.dma_semaphore, #tpu.memory_space<semaphore_mem>>) src(%arg8 : memref<128x128xf32, #tpu.memory_space<vmem>>) dst(%dma_wait3A_90 : memref<128x128xf32, #tpu.memory_space<hbm>>)
      tpu.yield
    }) : () -> ()
    %dma_start3A_41 = arith.constant 2 : i32
    %dma_start3A_42 = arith.constant 0 : i32
    %dma_start3A_43 = tpu.memref_slice %arg6[%dma_start3A_41, %dma_start3A_42] : memref<4x128xi32, #tpu.memory_space<vmem>> -> memref<1x128xi32, #tpu.memory_space<vmem>>
    %dma_start3A_44 = tpu.memref_squeeze %dma_start3A_43 : memref<1x128xi32, #tpu.memory_space<vmem>> -> memref<128xi32, #tpu.memory_space<vmem>>
    %dma_start3A_45 = arith.constant 0 : i32
    %dma_start3A_46 = arith.constant 0 : i32
    %dma_start3A_47 = tpu.memref_slice %arg2[%dma_start3A_45, %dma_start3A_46] : memref<8192x128xf32, #tpu.memory_space<hbm>> -> memref<8192x128xf32, #tpu.memory_space<hbm>>
    tpu.enqueue_indirect_dma source(%dma_start3A_47 : memref<8192x128xf32, #tpu.memory_space<hbm>>) target(%arg8 : memref<128x128xf32, #tpu.memory_space<vmem>>) offsets(%dma_start3A_44 : memref<128xi32, #tpu.memory_space<vmem>>) semaphore(%arg11 : memref<!tpu.dma_semaphore, #tpu.memory_space<semaphore_mem>>)
    %dma_wait3A_48 = arith.constant 2 : i32
    %dma_wait3A_49 = arith.constant 0 : i32
    %dma_wait3A_50 = tpu.memref_slice %arg6[%dma_wait3A_48, %dma_wait3A_49] : memref<4x128xi32, #tpu.memory_space<vmem>> -> memref<1x128xi32, #tpu.memory_space<vmem>>
    %dma_wait3A_51 = tpu.memref_squeeze %dma_wait3A_50 : memref<1x128xi32, #tpu.memory_space<vmem>> -> memref<128xi32, #tpu.memory_space<vmem>>
    %dma_wait3A_52 = arith.constant 0 : i32
    %dma_wait3A_53 = arith.constant 0 : i32
    %dma_wait3A_54 = tpu.memref_slice %arg2[%dma_wait3A_52, %dma_wait3A_53] : memref<8192x128xf32, #tpu.memory_space<hbm>> -> memref<8192x128xf32, #tpu.memory_space<hbm>>
    tpu.wait_indirect_dma semaphore(%arg11 : memref<!tpu.dma_semaphore, #tpu.memory_space<semaphore_mem>>) src(%dma_wait3A_54 : memref<8192x128xf32, #tpu.memory_space<hbm>>) dst(%arg8 : memref<128x128xf32, #tpu.memory_space<vmem>>)
    %mul3A_55 = arith.constant 4 : i32
    %mul3A_56 = arith.muli %add3A, %mul3A_55 : i32
    %add3A_57 = arith.constant 2 : i32
    %add3A_58 = arith.addi %mul3A_56, %add3A_57 : i32
    %mul3A_59 = arith.constant 128 : i32
    %mul3A_60 = arith.muli %add3A_58, %mul3A_59 : i32
    "tpu.region"() ({
      %run_scoped3A = tpu.sem_alloc : memref<!tpu.dma_semaphore, #tpu.memory_space<semaphore_mem>>
      %dma_start3A_83 = arith.constant 0 : i32
      %dma_start3A_84 = tpu.memref_slice %arg4[%mul3A_60, %dma_start3A_83] : memref<16384x128xf32, #tpu.memory_space<hbm>> -> memref<128x128xf32, #tpu.memory_space<hbm>>
      %dma_start3A_85 = arith.constant 0 : i32
      %dma_start3A_86 = tpu.memref_slice %arg4[%mul3A_60, %dma_start3A_85] : memref<16384x128xf32, #tpu.memory_space<hbm>> -> memref<128x128xf32, #tpu.memory_space<hbm>>
      tpu.enqueue_dma source(%arg8 : memref<128x128xf32, #tpu.memory_space<vmem>>) target(%dma_start3A_86 : memref<128x128xf32, #tpu.memory_space<hbm>>) target_semaphore(%run_scoped3A : memref<!tpu.dma_semaphore, #tpu.memory_space<semaphore_mem>>)
      %dma_wait3A_87 = arith.constant 0 : i32
      %dma_wait3A_88 = tpu.memref_slice %arg4[%mul3A_60, %dma_wait3A_87] : memref<16384x128xf32, #tpu.memory_space<hbm>> -> memref<128x128xf32, #tpu.memory_space<hbm>>
      %dma_wait3A_89 = arith.constant 0 : i32
      %dma_wait3A_90 = tpu.memref_slice %arg4[%mul3A_60, %dma_wait3A_89] : memref<16384x128xf32, #tpu.memory_space<hbm>> -> memref<128x128xf32, #tpu.memory_space<hbm>>
      tpu.wait_dma2 semaphore(%run_scoped3A : memref<!tpu.dma_semaphore, #tpu.memory_space<semaphore_mem>>) src(%arg8 : memref<128x128xf32, #tpu.memory_space<vmem>>) dst(%dma_wait3A_90 : memref<128x128xf32, #tpu.memory_space<hbm>>)
      tpu.yield
    }) : () -> ()
    %dma_start3A_61 = arith.constant 3 : i32
    %dma_start3A_62 = arith.constant 0 : i32
    %dma_start3A_63 = tpu.memref_slice %arg6[%dma_start3A_61, %dma_start3A_62] : memref<4x128xi32, #tpu.memory_space<vmem>> -> memref<1x128xi32, #tpu.memory_space<vmem>>
    %dma_start3A_64 = tpu.memref_squeeze %dma_start3A_63 : memref<1x128xi32, #tpu.memory_space<vmem>> -> memref<128xi32, #tpu.memory_space<vmem>>
    %dma_start3A_65 = arith.constant 0 : i32
    %dma_start3A_66 = arith.constant 0 : i32
    %dma_start3A_67 = tpu.memref_slice %arg2[%dma_start3A_65, %dma_start3A_66] : memref<8192x128xf32, #tpu.memory_space<hbm>> -> memref<8192x128xf32, #tpu.memory_space<hbm>>
    tpu.enqueue_indirect_dma source(%dma_start3A_67 : memref<8192x128xf32, #tpu.memory_space<hbm>>) target(%arg8 : memref<128x128xf32, #tpu.memory_space<vmem>>) offsets(%dma_start3A_64 : memref<128xi32, #tpu.memory_space<vmem>>) semaphore(%arg11 : memref<!tpu.dma_semaphore, #tpu.memory_space<semaphore_mem>>)
    %dma_wait3A_68 = arith.constant 3 : i32
    %dma_wait3A_69 = arith.constant 0 : i32
    %dma_wait3A_70 = tpu.memref_slice %arg6[%dma_wait3A_68, %dma_wait3A_69] : memref<4x128xi32, #tpu.memory_space<vmem>> -> memref<1x128xi32, #tpu.memory_space<vmem>>
    %dma_wait3A_71 = tpu.memref_squeeze %dma_wait3A_70 : memref<1x128xi32, #tpu.memory_space<vmem>> -> memref<128xi32, #tpu.memory_space<vmem>>
    %dma_wait3A_72 = arith.constant 0 : i32
    %dma_wait3A_73 = arith.constant 0 : i32
    %dma_wait3A_74 = tpu.memref_slice %arg2[%dma_wait3A_72, %dma_wait3A_73] : memref<8192x128xf32, #tpu.memory_space<hbm>> -> memref<8192x128xf32, #tpu.memory_space<hbm>>
    tpu.wait_indirect_dma semaphore(%arg11 : memref<!tpu.dma_semaphore, #tpu.memory_space<semaphore_mem>>) src(%dma_wait3A_74 : memref<8192x128xf32, #tpu.memory_space<hbm>>) dst(%arg8 : memref<128x128xf32, #tpu.memory_space<vmem>>)
    %mul3A_75 = arith.constant 4 : i32
    %mul3A_76 = arith.muli %add3A, %mul3A_75 : i32
    %add3A_77 = arith.constant 3 : i32
    %add3A_78 = arith.addi %mul3A_76, %add3A_77 : i32
    %mul3A_79 = arith.constant 128 : i32
    %mul3A_80 = arith.muli %add3A_78, %mul3A_79 : i32
    "tpu.region"() ({
      %run_scoped3A = tpu.sem_alloc : memref<!tpu.dma_semaphore, #tpu.memory_space<semaphore_mem>>
      %dma_start3A_83 = arith.constant 0 : i32
      %dma_start3A_84 = tpu.memref_slice %arg4[%mul3A_80, %dma_start3A_83] : memref<16384x128xf32, #tpu.memory_space<hbm>> -> memref<128x128xf32, #tpu.memory_space<hbm>>
      %dma_start3A_85 = arith.constant 0 : i32
      %dma_start3A_86 = tpu.memref_slice %arg4[%mul3A_80, %dma_start3A_85] : memref<16384x128xf32, #tpu.memory_space<hbm>> -> memref<128x128xf32, #tpu.memory_space<hbm>>
      tpu.enqueue_dma source(%arg8 : memref<128x128xf32, #tpu.memory_space<vmem>>) target(%dma_start3A_86 : memref<128x128xf32, #tpu.memory_space<hbm>>) target_semaphore(%run_scoped3A : memref<!tpu.dma_semaphore, #tpu.memory_space<semaphore_mem>>)
      %dma_wait3A_87 = arith.constant 0 : i32
      %dma_wait3A_88 = tpu.memref_slice %arg4[%mul3A_80, %dma_wait3A_87] : memref<16384x128xf32, #tpu.memory_space<hbm>> -> memref<128x128xf32, #tpu.memory_space<hbm>>
      %dma_wait3A_89 = arith.constant 0 : i32
      %dma_wait3A_90 = tpu.memref_slice %arg4[%mul3A_80, %dma_wait3A_89] : memref<16384x128xf32, #tpu.memory_space<hbm>> -> memref<128x128xf32, #tpu.memory_space<hbm>>
      tpu.wait_dma2 semaphore(%run_scoped3A : memref<!tpu.dma_semaphore, #tpu.memory_space<semaphore_mem>>) src(%arg8 : memref<128x128xf32, #tpu.memory_space<vmem>>) dst(%dma_wait3A_90 : memref<128x128xf32, #tpu.memory_space<hbm>>)
      tpu.yield
    }) : () -> ()
    %eq3A = arith.constant 0 : i32
    %eq3A_81 = arith.cmpi eq, %arg0, %eq3A : i32
    %convert_element_type3A = arith.extui %eq3A_81 : i1 to i32
    %cond3A = arith.constant 0 : i32
    %cond3A_82 = arith.cmpi ne, %convert_element_type3A, %cond3A : i32
    scf.if %cond3A_82 {
      %scan3A = arith.constant 0 : i32
      %scan3A_83 = arith.constant 128 : i32
      %scan3A_84 = arith.addi %scan3A, %scan3A_83 : i32
      %scan3A_85 = arith.constant 1 : i32
      scf.for %scan3A_112 = %scan3A to %scan3A_84 step %scan3A_85  : i32 {
        %mul3A_113 = arith.constant 1 : i32
        %mul3A_114 = arith.muli %scan3A_112, %mul3A_113 : i32
        %add3A_115 = arith.constant 0 : i32
        %add3A_116 = arith.addi %add3A_115, %mul3A_114 : i32
        %scan3A_117 = arith.constant 0 : i32
        %scan3A_118 = arith.constant 8 : i32
        %scan3A_119 = arith.addi %scan3A_117, %scan3A_118 : i32
        %scan3A_120 = arith.constant 1 : i32
        scf.for %scan3A_122 = %scan3A_117 to %scan3A_119 step %scan3A_120  : i32 {
          %mul3A_123 = arith.constant 16 : i32
          %mul3A_124 = arith.muli %scan3A_122, %mul3A_123 : i32
          %add3A_125 = arith.constant 0 : i32
          %add3A_126 = arith.addi %add3A_125, %mul3A_124 : i32
          %broadcast_in_dim3A = arith.constant 0.000000e+00 : f32
          %broadcast_in_dim3A_127 = vector.broadcast %broadcast_in_dim3A : f32 to vector<16xf32>
          %swap3A = arith.index_cast %add3A_116 : i32 to index
          %swap3A_128 = arith.index_cast %add3A_126 : i32 to index
          %swap3A_129 = tpu.vector_load %arg9[%swap3A, %swap3A_128] {strides = array<i32>} : memref<128x128xf32, #tpu.memory_space<vmem>>, vector<1x16xf32>,
          %swap3A_130 = vector.shape_cast %swap3A_129 : vector<1x16xf32> to vector<16xf32>
          %swap3A_131 = vector.shape_cast %broadcast_in_dim3A_127 : vector<16xf32> to vector<1x16xf32>
          tpu.vector_store %arg9[%swap3A, %swap3A_128], %swap3A_131 {strides = array<i32>} : memref<128x128xf32, #tpu.memory_space<vmem>>, vector<1x16xf32>,
        }
        %scan3A_121 = arith.constant 8 : i32
      }
      %scan3A_86 = arith.constant 128 : i32
      %scan3A_87 = arith.constant 0 : i32
      %scan3A_88 = arith.constant 4 : i32
      %scan3A_89 = arith.addi %scan3A_87, %scan3A_88 : i32
      %scan3A_90 = arith.constant 1 : i32
      scf.for %scan3A_112 = %scan3A_87 to %scan3A_89 step %scan3A_90  : i32 {
        %mul3A_113 = arith.constant 128 : i32
        %mul3A_114 = arith.muli %scan3A_112, %mul3A_113 : i32
        %add3A_115 = arith.constant 0 : i32
        %add3A_116 = arith.addi %add3A_115, %mul3A_114 : i32
        %mul3A_117 = arith.constant 512 : i32
        %mul3A_118 = arith.muli %arg1, %mul3A_117 : i32
        %add3A_119 = arith.addi %mul3A_118, %add3A_116 : i32
        "tpu.region"() ({
          %run_scoped3A_120 = tpu.sem_alloc : memref<!tpu.dma_semaphore, #tpu.memory_space<semaphore_mem>>
          %dma_start3A_121 = arith.constant 0 : i32
          %dma_start3A_122 = tpu.memref_slice %arg10[%add3A_119, %dma_start3A_121] : memref<8192x128xf32, #tpu.memory_space<vmem_shared>> -> memref<128x128xf32, #tpu.memory_space<vmem_shared>>
          %dma_start3A_123 = arith.constant 0 : i32
          %dma_start3A_124 = tpu.memref_slice %arg10[%add3A_119, %dma_start3A_123] : memref<8192x128xf32, #tpu.memory_space<vmem_shared>> -> memref<128x128xf32, #tpu.memory_space<vmem_shared>>
          tpu.enqueue_dma source(%arg9 : memref<128x128xf32, #tpu.memory_space<vmem>>) target(%dma_start3A_124 : memref<128x128xf32, #tpu.memory_space<vmem_shared>>) target_semaphore(%run_scoped3A_120 : memref<!tpu.dma_semaphore, #tpu.memory_space<semaphore_mem>>)
          %dma_wait3A_125 = arith.constant 0 : i32
          %dma_wait3A_126 = tpu.memref_slice %arg10[%add3A_119, %dma_wait3A_125] : memref<8192x128xf32, #tpu.memory_space<vmem_shared>> -> memref<128x128xf32, #tpu.memory_space<vmem_shared>>
          %dma_wait3A_127 = arith.constant 0 : i32
          %dma_wait3A_128 = tpu.memref_slice %arg10[%add3A_119, %dma_wait3A_127] : memref<8192x128xf32, #tpu.memory_space<vmem_shared>> -> memref<128x128xf32, #tpu.memory_space<vmem_shared>>
          tpu.wait_dma2 semaphore(%run_scoped3A_120 : memref<!tpu.dma_semaphore, #tpu.memory_space<semaphore_mem>>) src(%arg9 : memref<128x128xf32, #tpu.memory_space<vmem>>) dst(%dma_wait3A_128 : memref<128x128xf32, #tpu.memory_space<vmem_shared>>)
          tpu.yield
        }) : () -> ()
      }
      %scan3A_91 = arith.constant 4 : i32
      %mul3A_92 = arith.constant 8 : i32
      %mul3A_93 = arith.muli %arg1, %mul3A_92 : i32
      "tpu.region"() ({
        %run_scoped3A_112 = tpu.sem_alloc : memref<!tpu.dma_semaphore, #tpu.memory_space<semaphore_mem>>
        %dma_start3A_113 = arith.constant 0 : i32
        %dma_start3A_114 = tpu.memref_slice %arg3[%mul3A_93, %dma_start3A_113] : memref<128x128xi32, #tpu.memory_space<hbm>> -> memref<8x128xi32, #tpu.memory_space<hbm>>
        %dma_start3A_115 = arith.constant 0 : i32
        %dma_start3A_116 = tpu.memref_slice %arg3[%mul3A_93, %dma_start3A_115] : memref<128x128xi32, #tpu.memory_space<hbm>> -> memref<8x128xi32, #tpu.memory_space<hbm>>
        tpu.enqueue_dma source(%dma_start3A_116 : memref<8x128xi32, #tpu.memory_space<hbm>>) target(%arg7 : memref<8x128xi32, #tpu.memory_space<vmem>>) target_semaphore(%run_scoped3A_112 : memref<!tpu.dma_semaphore, #tpu.memory_space<semaphore_mem>>)
        %dma_wait3A_117 = arith.constant 0 : i32
        %dma_wait3A_118 = tpu.memref_slice %arg3[%mul3A_93, %dma_wait3A_117] : memref<128x128xi32, #tpu.memory_space<hbm>> -> memref<8x128xi32, #tpu.memory_space<hbm>>
        %dma_wait3A_119 = arith.constant 0 : i32
        %dma_wait3A_120 = tpu.memref_slice %arg3[%mul3A_93, %dma_wait3A_119] : memref<128x128xi32, #tpu.memory_space<hbm>> -> memref<8x128xi32, #tpu.memory_space<hbm>>
        tpu.wait_dma2 semaphore(%run_scoped3A_112 : memref<!tpu.dma_semaphore, #tpu.memory_space<semaphore_mem>>) src(%dma_wait3A_120 : memref<8x128xi32, #tpu.memory_space<hbm>>) dst(%arg7 : memref<8x128xi32, #tpu.memory_space<vmem>>)
        tpu.yield
      }) : () -> ()
      %scan3A_94 = arith.constant 0 : i32
      %scan3A_95 = arith.constant 128 : i32
      %scan3A_96 = arith.addi %scan3A_94, %scan3A_95 : i32
      %scan3A_97 = arith.constant 1 : i32
      scf.for %scan3A_112 = %scan3A_94 to %scan3A_96 step %scan3A_97  : i32 {
        %mul3A_113 = arith.constant 1 : i32
        %mul3A_114 = arith.muli %scan3A_112, %mul3A_113 : i32
        %add3A_115 = arith.constant 0 : i32
        %add3A_116 = arith.addi %add3A_115, %mul3A_114 : i32
        %scan3A_117 = arith.constant 0 : i32
        %scan3A_118 = arith.constant 8 : i32
        %scan3A_119 = arith.addi %scan3A_117, %scan3A_118 : i32
        %scan3A_120 = arith.constant 1 : i32
        scf.for %scan3A_122 = %scan3A_117 to %scan3A_119 step %scan3A_120  : i32 {
          %mul3A_123 = arith.constant 16 : i32
          %mul3A_124 = arith.muli %scan3A_122, %mul3A_123 : i32
          %add3A_125 = arith.constant 0 : i32
          %add3A_126 = arith.addi %add3A_125, %mul3A_124 : i32
          %broadcast_in_dim3A = arith.constant 1.000000e+00 : f32
          %broadcast_in_dim3A_127 = vector.broadcast %broadcast_in_dim3A : f32 to vector<16xf32>
          %swap3A = arith.index_cast %add3A_116 : i32 to index
          %swap3A_128 = arith.index_cast %add3A_126 : i32 to index
          %swap3A_129 = tpu.vector_load %arg9[%swap3A, %swap3A_128] {strides = array<i32>} : memref<128x128xf32, #tpu.memory_space<vmem>>, vector<1x16xf32>,
          %swap3A_130 = vector.shape_cast %swap3A_129 : vector<1x16xf32> to vector<16xf32>
          %swap3A_131 = vector.shape_cast %broadcast_in_dim3A_127 : vector<16xf32> to vector<1x16xf32>
          tpu.vector_store %arg9[%swap3A, %swap3A_128], %swap3A_131 {strides = array<i32>} : memref<128x128xf32, #tpu.memory_space<vmem>>, vector<1x16xf32>,
        }
        %scan3A_121 = arith.constant 8 : i32
      }
      %scan3A_98 = arith.constant 128 : i32
      %barrier3A = arith.constant 0 : index
      tpu.barrier barrier_id(%barrier3A)
      %run_scoped3A = arith.constant 0 : i32
      "tpu.region"() ({
        %run_scoped3A_112 = tpu.sem_alloc : memref<!tpu.dma_semaphore, #tpu.memory_space<semaphore_mem>>
        %dma_start3A_113 = arith.constant 0 : i32
        %dma_start3A_114 = tpu.memref_slice %arg7[%run_scoped3A, %dma_start3A_113] : memref<8x128xi32, #tpu.memory_space<vmem>> -> memref<1x128xi32, #tpu.memory_space<vmem>>
        %dma_start3A_115 = tpu.memref_squeeze %dma_start3A_114 : memref<1x128xi32, #tpu.memory_space<vmem>> -> memref<128xi32, #tpu.memory_space<vmem>>
        %dma_start3A_116 = arith.constant 0 : i32
        %dma_start3A_117 = arith.constant 0 : i32
        %dma_start3A_118 = tpu.memref_slice %arg10[%dma_start3A_116, %dma_start3A_117] : memref<8192x128xf32, #tpu.memory_space<vmem_shared>> -> memref<8192x128xf32, #tpu.memory_space<vmem_shared>>
        tpu.enqueue_indirect_dma source(%arg9 : memref<128x128xf32, #tpu.memory_space<vmem>>) target(%dma_start3A_118 : memref<8192x128xf32, #tpu.memory_space<vmem_shared>>) offsets(%dma_start3A_115 : memref<128xi32, #tpu.memory_space<vmem>>) semaphore(%run_scoped3A_112 : memref<!tpu.dma_semaphore, #tpu.memory_space<semaphore_mem>>) {add = true}
        %dma_wait3A_119 = arith.constant 0 : i32
        %dma_wait3A_120 = tpu.memref_slice %arg7[%run_scoped3A, %dma_wait3A_119] : memref<8x128xi32, #tpu.memory_space<vmem>> -> memref<1x128xi32, #tpu.memory_space<vmem>>
        %dma_wait3A_121 = tpu.memref_squeeze %dma_wait3A_120 : memref<1x128xi32, #tpu.memory_space<vmem>> -> memref<128xi32, #tpu.memory_space<vmem>>
        %dma_wait3A_122 = arith.constant 0 : i32
        %dma_wait3A_123 = arith.constant 0 : i32
        %dma_wait3A_124 = tpu.memref_slice %arg10[%dma_wait3A_122, %dma_wait3A_123] : memref<8192x128xf32, #tpu.memory_space<vmem_shared>> -> memref<8192x128xf32, #tpu.memory_space<vmem_shared>>
        tpu.wait_indirect_dma semaphore(%run_scoped3A_112 : memref<!tpu.dma_semaphore, #tpu.memory_space<semaphore_mem>>) src(%arg9 : memref<128x128xf32, #tpu.memory_space<vmem>>) dst(%dma_wait3A_124 : memref<8192x128xf32, #tpu.memory_space<vmem_shared>>)
        tpu.yield
      }) : () -> ()
      %run_scoped3A_99 = arith.constant 1 : i32
      "tpu.region"() ({
        %run_scoped3A_112 = tpu.sem_alloc : memref<!tpu.dma_semaphore, #tpu.memory_space<semaphore_mem>>
        %dma_start3A_113 = arith.constant 0 : i32
        %dma_start3A_114 = tpu.memref_slice %arg7[%run_scoped3A_99, %dma_start3A_113] : memref<8x128xi32, #tpu.memory_space<vmem>> -> memref<1x128xi32, #tpu.memory_space<vmem>>
        %dma_start3A_115 = tpu.memref_squeeze %dma_start3A_114 : memref<1x128xi32, #tpu.memory_space<vmem>> -> memref<128xi32, #tpu.memory_space<vmem>>
        %dma_start3A_116 = arith.constant 0 : i32
        %dma_start3A_117 = arith.constant 0 : i32
        %dma_start3A_118 = tpu.memref_slice %arg10[%dma_start3A_116, %dma_start3A_117] : memref<8192x128xf32, #tpu.memory_space<vmem_shared>> -> memref<8192x128xf32, #tpu.memory_space<vmem_shared>>
        tpu.enqueue_indirect_dma source(%arg9 : memref<128x128xf32, #tpu.memory_space<vmem>>) target(%dma_start3A_118 : memref<8192x128xf32, #tpu.memory_space<vmem_shared>>) offsets(%dma_start3A_115 : memref<128xi32, #tpu.memory_space<vmem>>) semaphore(%run_scoped3A_112 : memref<!tpu.dma_semaphore, #tpu.memory_space<semaphore_mem>>) {add = true}
        %dma_wait3A_119 = arith.constant 0 : i32
        %dma_wait3A_120 = tpu.memref_slice %arg7[%run_scoped3A_99, %dma_wait3A_119] : memref<8x128xi32, #tpu.memory_space<vmem>> -> memref<1x128xi32, #tpu.memory_space<vmem>>
        %dma_wait3A_121 = tpu.memref_squeeze %dma_wait3A_120 : memref<1x128xi32, #tpu.memory_space<vmem>> -> memref<128xi32, #tpu.memory_space<vmem>>
        %dma_wait3A_122 = arith.constant 0 : i32
        %dma_wait3A_123 = arith.constant 0 : i32
        %dma_wait3A_124 = tpu.memref_slice %arg10[%dma_wait3A_122, %dma_wait3A_123] : memref<8192x128xf32, #tpu.memory_space<vmem_shared>> -> memref<8192x128xf32, #tpu.memory_space<vmem_shared>>
        tpu.wait_indirect_dma semaphore(%run_scoped3A_112 : memref<!tpu.dma_semaphore, #tpu.memory_space<semaphore_mem>>) src(%arg9 : memref<128x128xf32, #tpu.memory_space<vmem>>) dst(%dma_wait3A_124 : memref<8192x128xf32, #tpu.memory_space<vmem_shared>>)
        tpu.yield
      }) : () -> ()
      %run_scoped3A_100 = arith.constant 2 : i32
      "tpu.region"() ({
        %run_scoped3A_112 = tpu.sem_alloc : memref<!tpu.dma_semaphore, #tpu.memory_space<semaphore_mem>>
        %dma_start3A_113 = arith.constant 0 : i32
        %dma_start3A_114 = tpu.memref_slice %arg7[%run_scoped3A_100, %dma_start3A_113] : memref<8x128xi32, #tpu.memory_space<vmem>> -> memref<1x128xi32, #tpu.memory_space<vmem>>
        %dma_start3A_115 = tpu.memref_squeeze %dma_start3A_114 : memref<1x128xi32, #tpu.memory_space<vmem>> -> memref<128xi32, #tpu.memory_space<vmem>>
        %dma_start3A_116 = arith.constant 0 : i32
        %dma_start3A_117 = arith.constant 0 : i32
        %dma_start3A_118 = tpu.memref_slice %arg10[%dma_start3A_116, %dma_start3A_117] : memref<8192x128xf32, #tpu.memory_space<vmem_shared>> -> memref<8192x128xf32, #tpu.memory_space<vmem_shared>>
        tpu.enqueue_indirect_dma source(%arg9 : memref<128x128xf32, #tpu.memory_space<vmem>>) target(%dma_start3A_118 : memref<8192x128xf32, #tpu.memory_space<vmem_shared>>) offsets(%dma_start3A_115 : memref<128xi32, #tpu.memory_space<vmem>>) semaphore(%run_scoped3A_112 : memref<!tpu.dma_semaphore, #tpu.memory_space<semaphore_mem>>) {add = true}
        %dma_wait3A_119 = arith.constant 0 : i32
        %dma_wait3A_120 = tpu.memref_slice %arg7[%run_scoped3A_100, %dma_wait3A_119] : memref<8x128xi32, #tpu.memory_space<vmem>> -> memref<1x128xi32, #tpu.memory_space<vmem>>
        %dma_wait3A_121 = tpu.memref_squeeze %dma_wait3A_120 : memref<1x128xi32, #tpu.memory_space<vmem>> -> memref<128xi32, #tpu.memory_space<vmem>>
        %dma_wait3A_122 = arith.constant 0 : i32
        %dma_wait3A_123 = arith.constant 0 : i32
        %dma_wait3A_124 = tpu.memref_slice %arg10[%dma_wait3A_122, %dma_wait3A_123] : memref<8192x128xf32, #tpu.memory_space<vmem_shared>> -> memref<8192x128xf32, #tpu.memory_space<vmem_shared>>
        tpu.wait_indirect_dma semaphore(%run_scoped3A_112 : memref<!tpu.dma_semaphore, #tpu.memory_space<semaphore_mem>>) src(%arg9 : memref<128x128xf32, #tpu.memory_space<vmem>>) dst(%dma_wait3A_124 : memref<8192x128xf32, #tpu.memory_space<vmem_shared>>)
        tpu.yield
      }) : () -> ()
      %run_scoped3A_101 = arith.constant 3 : i32
      "tpu.region"() ({
        %run_scoped3A_112 = tpu.sem_alloc : memref<!tpu.dma_semaphore, #tpu.memory_space<semaphore_mem>>
        %dma_start3A_113 = arith.constant 0 : i32
        %dma_start3A_114 = tpu.memref_slice %arg7[%run_scoped3A_101, %dma_start3A_113] : memref<8x128xi32, #tpu.memory_space<vmem>> -> memref<1x128xi32, #tpu.memory_space<vmem>>
        %dma_start3A_115 = tpu.memref_squeeze %dma_start3A_114 : memref<1x128xi32, #tpu.memory_space<vmem>> -> memref<128xi32, #tpu.memory_space<vmem>>
        %dma_start3A_116 = arith.constant 0 : i32
        %dma_start3A_117 = arith.constant 0 : i32
        %dma_start3A_118 = tpu.memref_slice %arg10[%dma_start3A_116, %dma_start3A_117] : memref<8192x128xf32, #tpu.memory_space<vmem_shared>> -> memref<8192x128xf32, #tpu.memory_space<vmem_shared>>
        tpu.enqueue_indirect_dma source(%arg9 : memref<128x128xf32, #tpu.memory_space<vmem>>) target(%dma_start3A_118 : memref<8192x128xf32, #tpu.memory_space<vmem_shared>>) offsets(%dma_start3A_115 : memref<128xi32, #tpu.memory_space<vmem>>) semaphore(%run_scoped3A_112 : memref<!tpu.dma_semaphore, #tpu.memory_space<semaphore_mem>>) {add = true}
        %dma_wait3A_119 = arith.constant 0 : i32
        %dma_wait3A_120 = tpu.memref_slice %arg7[%run_scoped3A_101, %dma_wait3A_119] : memref<8x128xi32, #tpu.memory_space<vmem>> -> memref<1x128xi32, #tpu.memory_space<vmem>>
        %dma_wait3A_121 = tpu.memref_squeeze %dma_wait3A_120 : memref<1x128xi32, #tpu.memory_space<vmem>> -> memref<128xi32, #tpu.memory_space<vmem>>
        %dma_wait3A_122 = arith.constant 0 : i32
        %dma_wait3A_123 = arith.constant 0 : i32
        %dma_wait3A_124 = tpu.memref_slice %arg10[%dma_wait3A_122, %dma_wait3A_123] : memref<8192x128xf32, #tpu.memory_space<vmem_shared>> -> memref<8192x128xf32, #tpu.memory_space<vmem_shared>>
        tpu.wait_indirect_dma semaphore(%run_scoped3A_112 : memref<!tpu.dma_semaphore, #tpu.memory_space<semaphore_mem>>) src(%arg9 : memref<128x128xf32, #tpu.memory_space<vmem>>) dst(%dma_wait3A_124 : memref<8192x128xf32, #tpu.memory_space<vmem_shared>>)
        tpu.yield
      }) : () -> ()
      %run_scoped3A_102 = arith.constant 4 : i32
      "tpu.region"() ({
        %run_scoped3A_112 = tpu.sem_alloc : memref<!tpu.dma_semaphore, #tpu.memory_space<semaphore_mem>>
        %dma_start3A_113 = arith.constant 0 : i32
        %dma_start3A_114 = tpu.memref_slice %arg7[%run_scoped3A_102, %dma_start3A_113] : memref<8x128xi32, #tpu.memory_space<vmem>> -> memref<1x128xi32, #tpu.memory_space<vmem>>
        %dma_start3A_115 = tpu.memref_squeeze %dma_start3A_114 : memref<1x128xi32, #tpu.memory_space<vmem>> -> memref<128xi32, #tpu.memory_space<vmem>>
        %dma_start3A_116 = arith.constant 0 : i32
        %dma_start3A_117 = arith.constant 0 : i32
        %dma_start3A_118 = tpu.memref_slice %arg10[%dma_start3A_116, %dma_start3A_117] : memref<8192x128xf32, #tpu.memory_space<vmem_shared>> -> memref<8192x128xf32, #tpu.memory_space<vmem_shared>>
        tpu.enqueue_indirect_dma source(%arg9 : memref<128x128xf32, #tpu.memory_space<vmem>>) target(%dma_start3A_118 : memref<8192x128xf32, #tpu.memory_space<vmem_shared>>) offsets(%dma_start3A_115 : memref<128xi32, #tpu.memory_space<vmem>>) semaphore(%run_scoped3A_112 : memref<!tpu.dma_semaphore, #tpu.memory_space<semaphore_mem>>) {add = true}
        %dma_wait3A_119 = arith.constant 0 : i32
        %dma_wait3A_120 = tpu.memref_slice %arg7[%run_scoped3A_102, %dma_wait3A_119] : memref<8x128xi32, #tpu.memory_space<vmem>> -> memref<1x128xi32, #tpu.memory_space<vmem>>
        %dma_wait3A_121 = tpu.memref_squeeze %dma_wait3A_120 : memref<1x128xi32, #tpu.memory_space<vmem>> -> memref<128xi32, #tpu.memory_space<vmem>>
        %dma_wait3A_122 = arith.constant 0 : i32
        %dma_wait3A_123 = arith.constant 0 : i32
        %dma_wait3A_124 = tpu.memref_slice %arg10[%dma_wait3A_122, %dma_wait3A_123] : memref<8192x128xf32, #tpu.memory_space<vmem_shared>> -> memref<8192x128xf32, #tpu.memory_space<vmem_shared>>
        tpu.wait_indirect_dma semaphore(%run_scoped3A_112 : memref<!tpu.dma_semaphore, #tpu.memory_space<semaphore_mem>>) src(%arg9 : memref<128x128xf32, #tpu.memory_space<vmem>>) dst(%dma_wait3A_124 : memref<8192x128xf32, #tpu.memory_space<vmem_shared>>)
        tpu.yield
      }) : () -> ()
      %run_scoped3A_103 = arith.constant 5 : i32
      "tpu.region"() ({
        %run_scoped3A_112 = tpu.sem_alloc : memref<!tpu.dma_semaphore, #tpu.memory_space<semaphore_mem>>
        %dma_start3A_113 = arith.constant 0 : i32
        %dma_start3A_114 = tpu.memref_slice %arg7[%run_scoped3A_103, %dma_start3A_113] : memref<8x128xi32, #tpu.memory_space<vmem>> -> memref<1x128xi32, #tpu.memory_space<vmem>>
        %dma_start3A_115 = tpu.memref_squeeze %dma_start3A_114 : memref<1x128xi32, #tpu.memory_space<vmem>> -> memref<128xi32, #tpu.memory_space<vmem>>
        %dma_start3A_116 = arith.constant 0 : i32
        %dma_start3A_117 = arith.constant 0 : i32
        %dma_start3A_118 = tpu.memref_slice %arg10[%dma_start3A_116, %dma_start3A_117] : memref<8192x128xf32, #tpu.memory_space<vmem_shared>> -> memref<8192x128xf32, #tpu.memory_space<vmem_shared>>
        tpu.enqueue_indirect_dma source(%arg9 : memref<128x128xf32, #tpu.memory_space<vmem>>) target(%dma_start3A_118 : memref<8192x128xf32, #tpu.memory_space<vmem_shared>>) offsets(%dma_start3A_115 : memref<128xi32, #tpu.memory_space<vmem>>) semaphore(%run_scoped3A_112 : memref<!tpu.dma_semaphore, #tpu.memory_space<semaphore_mem>>) {add = true}
        %dma_wait3A_119 = arith.constant 0 : i32
        %dma_wait3A_120 = tpu.memref_slice %arg7[%run_scoped3A_103, %dma_wait3A_119] : memref<8x128xi32, #tpu.memory_space<vmem>> -> memref<1x128xi32, #tpu.memory_space<vmem>>
        %dma_wait3A_121 = tpu.memref_squeeze %dma_wait3A_120 : memref<1x128xi32, #tpu.memory_space<vmem>> -> memref<128xi32, #tpu.memory_space<vmem>>
        %dma_wait3A_122 = arith.constant 0 : i32
        %dma_wait3A_123 = arith.constant 0 : i32
        %dma_wait3A_124 = tpu.memref_slice %arg10[%dma_wait3A_122, %dma_wait3A_123] : memref<8192x128xf32, #tpu.memory_space<vmem_shared>> -> memref<8192x128xf32, #tpu.memory_space<vmem_shared>>
        tpu.wait_indirect_dma semaphore(%run_scoped3A_112 : memref<!tpu.dma_semaphore, #tpu.memory_space<semaphore_mem>>) src(%arg9 : memref<128x128xf32, #tpu.memory_space<vmem>>) dst(%dma_wait3A_124 : memref<8192x128xf32, #tpu.memory_space<vmem_shared>>)
        tpu.yield
      }) : () -> ()
      %run_scoped3A_104 = arith.constant 6 : i32
      "tpu.region"() ({
        %run_scoped3A_112 = tpu.sem_alloc : memref<!tpu.dma_semaphore, #tpu.memory_space<semaphore_mem>>
        %dma_start3A_113 = arith.constant 0 : i32
        %dma_start3A_114 = tpu.memref_slice %arg7[%run_scoped3A_104, %dma_start3A_113] : memref<8x128xi32, #tpu.memory_space<vmem>> -> memref<1x128xi32, #tpu.memory_space<vmem>>
        %dma_start3A_115 = tpu.memref_squeeze %dma_start3A_114 : memref<1x128xi32, #tpu.memory_space<vmem>> -> memref<128xi32, #tpu.memory_space<vmem>>
        %dma_start3A_116 = arith.constant 0 : i32
        %dma_start3A_117 = arith.constant 0 : i32
        %dma_start3A_118 = tpu.memref_slice %arg10[%dma_start3A_116, %dma_start3A_117] : memref<8192x128xf32, #tpu.memory_space<vmem_shared>> -> memref<8192x128xf32, #tpu.memory_space<vmem_shared>>
        tpu.enqueue_indirect_dma source(%arg9 : memref<128x128xf32, #tpu.memory_space<vmem>>) target(%dma_start3A_118 : memref<8192x128xf32, #tpu.memory_space<vmem_shared>>) offsets(%dma_start3A_115 : memref<128xi32, #tpu.memory_space<vmem>>) semaphore(%run_scoped3A_112 : memref<!tpu.dma_semaphore, #tpu.memory_space<semaphore_mem>>) {add = true}
        %dma_wait3A_119 = arith.constant 0 : i32
        %dma_wait3A_120 = tpu.memref_slice %arg7[%run_scoped3A_104, %dma_wait3A_119] : memref<8x128xi32, #tpu.memory_space<vmem>> -> memref<1x128xi32, #tpu.memory_space<vmem>>
        %dma_wait3A_121 = tpu.memref_squeeze %dma_wait3A_120 : memref<1x128xi32, #tpu.memory_space<vmem>> -> memref<128xi32, #tpu.memory_space<vmem>>
        %dma_wait3A_122 = arith.constant 0 : i32
        %dma_wait3A_123 = arith.constant 0 : i32
        %dma_wait3A_124 = tpu.memref_slice %arg10[%dma_wait3A_122, %dma_wait3A_123] : memref<8192x128xf32, #tpu.memory_space<vmem_shared>> -> memref<8192x128xf32, #tpu.memory_space<vmem_shared>>
        tpu.wait_indirect_dma semaphore(%run_scoped3A_112 : memref<!tpu.dma_semaphore, #tpu.memory_space<semaphore_mem>>) src(%arg9 : memref<128x128xf32, #tpu.memory_space<vmem>>) dst(%dma_wait3A_124 : memref<8192x128xf32, #tpu.memory_space<vmem_shared>>)
        tpu.yield
      }) : () -> ()
      %run_scoped3A_105 = arith.constant 7 : i32
      "tpu.region"() ({
        %run_scoped3A_112 = tpu.sem_alloc : memref<!tpu.dma_semaphore, #tpu.memory_space<semaphore_mem>>
        %dma_start3A_113 = arith.constant 0 : i32
        %dma_start3A_114 = tpu.memref_slice %arg7[%run_scoped3A_105, %dma_start3A_113] : memref<8x128xi32, #tpu.memory_space<vmem>> -> memref<1x128xi32, #tpu.memory_space<vmem>>
        %dma_start3A_115 = tpu.memref_squeeze %dma_start3A_114 : memref<1x128xi32, #tpu.memory_space<vmem>> -> memref<128xi32, #tpu.memory_space<vmem>>
        %dma_start3A_116 = arith.constant 0 : i32
        %dma_start3A_117 = arith.constant 0 : i32
        %dma_start3A_118 = tpu.memref_slice %arg10[%dma_start3A_116, %dma_start3A_117] : memref<8192x128xf32, #tpu.memory_space<vmem_shared>> -> memref<8192x128xf32, #tpu.memory_space<vmem_shared>>
        tpu.enqueue_indirect_dma source(%arg9 : memref<128x128xf32, #tpu.memory_space<vmem>>) target(%dma_start3A_118 : memref<8192x128xf32, #tpu.memory_space<vmem_shared>>) offsets(%dma_start3A_115 : memref<128xi32, #tpu.memory_space<vmem>>) semaphore(%run_scoped3A_112 : memref<!tpu.dma_semaphore, #tpu.memory_space<semaphore_mem>>) {add = true}
        %dma_wait3A_119 = arith.constant 0 : i32
        %dma_wait3A_120 = tpu.memref_slice %arg7[%run_scoped3A_105, %dma_wait3A_119] : memref<8x128xi32, #tpu.memory_space<vmem>> -> memref<1x128xi32, #tpu.memory_space<vmem>>
        %dma_wait3A_121 = tpu.memref_squeeze %dma_wait3A_120 : memref<1x128xi32, #tpu.memory_space<vmem>> -> memref<128xi32, #tpu.memory_space<vmem>>
        %dma_wait3A_122 = arith.constant 0 : i32
        %dma_wait3A_123 = arith.constant 0 : i32
        %dma_wait3A_124 = tpu.memref_slice %arg10[%dma_wait3A_122, %dma_wait3A_123] : memref<8192x128xf32, #tpu.memory_space<vmem_shared>> -> memref<8192x128xf32, #tpu.memory_space<vmem_shared>>
        tpu.wait_indirect_dma semaphore(%run_scoped3A_112 : memref<!tpu.dma_semaphore, #tpu.memory_space<semaphore_mem>>) src(%arg9 : memref<128x128xf32, #tpu.memory_space<vmem>>) dst(%dma_wait3A_124 : memref<8192x128xf32, #tpu.memory_space<vmem_shared>>)
        tpu.yield
      }) : () -> ()
      %barrier3A_106 = arith.constant 0 : index
      tpu.barrier barrier_id(%barrier3A_106)
      %scan3A_107 = arith.constant 0 : i32
      %scan3A_108 = arith.constant 4 : i32
      %scan3A_109 = arith.addi %scan3A_107, %scan3A_108 : i32
      %scan3A_110 = arith.constant 1 : i32
      scf.for %scan3A_112 = %scan3A_107 to %scan3A_109 step %scan3A_110  : i32 {
        %mul3A_113 = arith.constant 128 : i32
        %mul3A_114 = arith.muli %scan3A_112, %mul3A_113 : i32
        %add3A_115 = arith.constant 0 : i32
        %add3A_116 = arith.addi %add3A_115, %mul3A_114 : i32
        %mul3A_117 = arith.constant 512 : i32
        %mul3A_118 = arith.muli %arg1, %mul3A_117 : i32
        %add3A_119 = arith.addi %mul3A_118, %add3A_116 : i32
        %mul3A_120 = arith.constant 512 : i32
        %mul3A_121 = arith.muli %arg1, %mul3A_120 : i32
        %add3A_122 = arith.addi %mul3A_121, %add3A_116 : i32
        "tpu.region"() ({
          %run_scoped3A_123 = tpu.sem_alloc : memref<!tpu.dma_semaphore, #tpu.memory_space<semaphore_mem>>
          %dma_start3A_124 = arith.constant 0 : i32
          %dma_start3A_125 = tpu.memref_slice %arg5[%add3A_122, %dma_start3A_124] : memref<8192x128xf32, #tpu.memory_space<hbm>> -> memref<128x128xf32, #tpu.memory_space<hbm>>
          %dma_start3A_126 = arith.constant 0 : i32
          %dma_start3A_127 = tpu.memref_slice %arg10[%add3A_119, %dma_start3A_126] : memref<8192x128xf32, #tpu.memory_space<vmem_shared>> -> memref<128x128xf32, #tpu.memory_space<vmem_shared>>
          tpu.enqueue_dma source(%dma_start3A_127 : memref<128x128xf32, #tpu.memory_space<vmem_shared>>) target(%dma_start3A_125 : memref<128x128xf32, #tpu.memory_space<hbm>>) target_semaphore(%run_scoped3A_123 : memref<!tpu.dma_semaphore, #tpu.memory_space<semaphore_mem>>)
          %dma_wait3A_128 = arith.constant 0 : i32
          %dma_wait3A_129 = tpu.memref_slice %arg5[%add3A_122, %dma_wait3A_128] : memref<8192x128xf32, #tpu.memory_space<hbm>> -> memref<128x128xf32, #tpu.memory_space<hbm>>
          %dma_wait3A_130 = arith.constant 0 : i32
          %dma_wait3A_131 = tpu.memref_slice %arg10[%add3A_119, %dma_wait3A_130] : memref<8192x128xf32, #tpu.memory_space<vmem_shared>> -> memref<128x128xf32, #tpu.memory_space<vmem_shared>>
          tpu.wait_dma2 semaphore(%run_scoped3A_123 : memref<!tpu.dma_semaphore, #tpu.memory_space<semaphore_mem>>) src(%dma_wait3A_131 : memref<128x128xf32, #tpu.memory_space<vmem_shared>>) dst(%dma_wait3A_129 : memref<128x128xf32, #tpu.memory_space<hbm>>)
          tpu.yield
        }) : () -> ()
      }
      %scan3A_111 = arith.constant 4 : i32
    } else {
    }
    return
  }
}

module attributes {stable_mosaic.version = 14 : i64} {
  func.func @_argmin_body(%arg0: i32, %arg1: memref<256x32xf32, #tpu.memory_space<vmem>>, %arg2: memref<256x1xf32, #tpu.memory_space<vmem>>, %arg3: memref<32x8192xf32, #tpu.memory_space<vmem>>, %arg4: memref<1x8192xf32, #tpu.memory_space<vmem>>, %arg5: memref<256x1xi32, #tpu.memory_space<vmem>>) attributes {dimension_semantics = [#tpu.dimension_semantics<arbitrary>], iteration_bounds = array<i64: 64>, scalar_prefetch = 0 : i64, scratch_operands = 0 : i64, tpu.core_type = #tpu.core_type<tc>, window_params = [{transform_indices = @transform_0, window_bounds = array<i64: 256, 32>}, {transform_indices = @transform_1, window_bounds = array<i64: 256, 1>}, {pipeline_mode = #tpu.pipeline_mode<synchronous>, transform_indices = @transform_2, window_bounds = array<i64: 32, 8192>}, {pipeline_mode = #tpu.pipeline_mode<synchronous>, transform_indices = @transform_3, window_bounds = array<i64: 1, 8192>}, {transform_indices = @transform_4, window_bounds = array<i64: 256, 1>}]} {
    %get3A = arith.constant 0 : index
    %get3A_0 = arith.constant 0 : index
    %get3A_1 = vector.load %arg1[%get3A, %get3A_0] : memref<256x32xf32, #tpu.memory_space<vmem>>, vector<256x32xf32>
    %get3A_2 = arith.constant 0 : index
    %get3A_3 = arith.constant 0 : index
    %get3A_4 = vector.load %arg3[%get3A_2, %get3A_3] : memref<32x8192xf32, #tpu.memory_space<vmem>>, vector<32x8192xf32>
    %dot_general3A = arith.constant dense<0.000000e+00> : vector<256x8192xf32>
    %dot_general3A_5 = tpu.matmul %get3A_1, %get3A_4, %dot_general3A {dimension_numbers = #tpu.dot_dimension_numbers<[1], [0], [0], [1], [0, 0, 1, 1], [], []>, transpose_lhs_hint = false} : vector<256x32xf32>, vector<32x8192xf32>, vector<256x8192xf32> -> vector<256x8192xf32>
    %get3A_6 = arith.constant 0 : index
    %get3A_7 = arith.constant 0 : index
    %get3A_8 = vector.load %arg2[%get3A_6, %get3A_7] : memref<256x1xf32, #tpu.memory_space<vmem>>, vector<256x1xf32>
    %mul3A = arith.constant 2.000000e+00 : f32
    %mul3A_9 = vector.broadcast %mul3A : f32 to vector<256x8192xf32>
    %mul3A_10 = arith.mulf %mul3A_9, %dot_general3A_5 : vector<256x8192xf32>
    %sub3A = vector.broadcast %get3A_8 : vector<256x1xf32> to vector<256x8192xf32>
    %sub3A_11 = arith.subf %sub3A, %mul3A_10 : vector<256x8192xf32>
    %get3A_12 = arith.constant 0 : index
    %get3A_13 = arith.constant 0 : index
    %get3A_14 = vector.load %arg4[%get3A_12, %get3A_13] : memref<1x8192xf32, #tpu.memory_space<vmem>>, vector<1x8192xf32>
    %add3A = vector.broadcast %get3A_14 : vector<1x8192xf32> to vector<256x8192xf32>
    %add3A_15 = arith.addf %sub3A_11, %add3A : vector<256x8192xf32>
    %max3A = arith.constant 0.000000e+00 : f32
    %max3A_16 = vector.broadcast %max3A : f32 to vector<256x8192xf32>
    %max3A_17 = arith.maximumf %add3A_15, %max3A_16 : vector<256x8192xf32>
    %sqrt3A = math.sqrt %max3A_17 : vector<256x8192xf32>
    %reduce_min3A = arith.constant dense<0x7F800000> : vector<256xf32>
    %reduce_min3A_18 = vector.multi_reduction <minimumf>, %sqrt3A, %reduce_min3A [1] : vector<256x8192xf32> to vector<256xf32>
    %broadcast_in_dim3A = vector.shape_cast %reduce_min3A_18 : vector<256xf32> to vector<256x1xf32>
    %iota3A = tpu.iota {dimensions = array<i32: 1>} : vector<256x8192xi32>
    %eq3A = vector.broadcast %broadcast_in_dim3A : vector<256x1xf32> to vector<256x8192xf32>
    %eq3A_19 = arith.cmpf oeq, %sqrt3A, %eq3A : vector<256x8192xf32>
    %jit3A = arith.constant 1073741824 : i32
    %broadcast_in_dim3A_20 = vector.broadcast %jit3A : i32 to vector<256x8192xi32>
    %select_n3A = arith.select %eq3A_19, %iota3A, %broadcast_in_dim3A_20 : vector<256x8192xi1>, vector<256x8192xi32>
    %reduce_min3A_21 = arith.constant dense<2147483647> : vector<256xi32>
    %reduce_min3A_22 = vector.multi_reduction <minsi>, %select_n3A, %reduce_min3A_21 [1] : vector<256x8192xi32> to vector<256xi32>
    %broadcast_in_dim3A_23 = vector.shape_cast %reduce_min3A_22 : vector<256xi32> to vector<256x1xi32>
    %swap3A = arith.constant 0 : index
    %swap3A_24 = arith.constant 0 : index
    %swap3A_25 = vector.load %arg5[%swap3A, %swap3A_24] : memref<256x1xi32, #tpu.memory_space<vmem>>, vector<256x1xi32>
    tpu.vector_store %arg5[%swap3A, %swap3A_24], %broadcast_in_dim3A_23 {strides = array<i32>} : memref<256x1xi32, #tpu.memory_space<vmem>>, vector<256x1xi32>,
    return
  }
  func.func @transform_0(%arg0: i32) -> (i32, i32) {
    %c0_i32 = arith.constant 0 : i32
    %c0_i32_0 = arith.constant 0 : i32
    return %arg0, %c0_i32 : i32, i32
  }
  func.func @transform_1(%arg0: i32) -> (i32, i32) {
    %c0_i32 = arith.constant 0 : i32
    %c0_i32_0 = arith.constant 0 : i32
    return %arg0, %c0_i32 : i32, i32
  }
  func.func @transform_2(%arg0: i32) -> (i32, i32) {
    %c0_i32 = arith.constant 0 : i32
    %c0_i32_0 = arith.constant 0 : i32
    %c0_i32_1 = arith.constant 0 : i32
    return %c0_i32, %c0_i32_0 : i32, i32
  }
  func.func @transform_3(%arg0: i32) -> (i32, i32) {
    %c0_i32 = arith.constant 0 : i32
    %c0_i32_0 = arith.constant 0 : i32
    %c0_i32_1 = arith.constant 0 : i32
    return %c0_i32, %c0_i32_0 : i32, i32
  }
  func.func @transform_4(%arg0: i32) -> (i32, i32) {
    %c0_i32 = arith.constant 0 : i32
    %c0_i32_0 = arith.constant 0 : i32
    return %arg0, %c0_i32 : i32, i32
  }
}

module attributes {stable_mosaic.version = 14 : i64} {
  func.func @_finish_body(%arg0: memref<16384x32xf32, #tpu.memory_space<vmem>>, %arg1: memref<16384x128xf32, #tpu.memory_space<vmem>>, %arg2: memref<8192x128xf32, #tpu.memory_space<vmem>>, %arg3: memref<16384x32xf32, #tpu.memory_space<vmem>>, %arg4: memref<1x1xf32, #tpu.memory_space<vmem>>, %arg5: memref<1x1xf32, #tpu.memory_space<vmem>>) attributes {dimension_semantics = [], scalar_prefetch = 0 : i64, scratch_operands = 0 : i64, tpu.core_type = #tpu.core_type<tc>} {
    %get3A = arith.constant 0 : index
    %get3A_0 = arith.constant 0 : index
    %get3A_1 = vector.load %arg0[%get3A, %get3A_0] : memref<16384x32xf32, #tpu.memory_space<vmem>>, vector<16384x32xf32>
    %get3A_2 = arith.constant 0 : index
    %get3A_3 = arith.constant 0 : index
    %get3A_4 = vector.load %arg1[%get3A_2, %get3A_3] : memref<16384x128xf32, #tpu.memory_space<vmem>>, vector<16384x128xf32>
    %slice3A = vector.extract_strided_slice %get3A_4 {offsets = [0, 0], sizes = [16384, 32], strides = [1, 1]} : vector<16384x128xf32> to vector<16384x32xf32>
    %sub3A = arith.subf %slice3A, %get3A_1 : vector<16384x32xf32>
    %add3A = arith.addf %get3A_1, %sub3A : vector<16384x32xf32>
    %swap3A = arith.constant 0 : index
    %swap3A_5 = arith.constant 0 : index
    %swap3A_6 = vector.load %arg3[%swap3A, %swap3A_5] : memref<16384x32xf32, #tpu.memory_space<vmem>>, vector<16384x32xf32>
    tpu.vector_store %arg3[%swap3A, %swap3A_5], %add3A {strides = array<i32>} : memref<16384x32xf32, #tpu.memory_space<vmem>>, vector<16384x32xf32>,
    %sub3A_7 = arith.subf %slice3A, %get3A_1 : vector<16384x32xf32>
    %mul3A = arith.mulf %sub3A_7, %sub3A_7 : vector<16384x32xf32>
    %reduce_sum3A = vector.shape_cast %mul3A : vector<16384x32xf32> to vector<1x16384x32xf32>
    %reduce_sum3A_8 = arith.constant dense<0.000000e+00> : vector<1xf32>
    %reduce_sum3A_9 = vector.multi_reduction <add>, %reduce_sum3A, %reduce_sum3A_8 [1, 2] : vector<1x16384x32xf32> to vector<1xf32>
    %reduce_sum3A_10 = vector.shape_cast %reduce_sum3A_9 : vector<1xf32> to vector<1x1x1xf32>
    %reduce_sum3A_11 = vector.extract %reduce_sum3A_10[0, 0, 0] : f32 from vector<1x1x1xf32>
    %mul3A_12 = arith.constant 1.90734863E-6 : f32
    %mul3A_13 = arith.mulf %reduce_sum3A_11, %mul3A_12 : f32
    %mul3A_14 = arith.constant 2.500000e-01 : f32
    %mul3A_15 = arith.mulf %mul3A_14, %mul3A_13 : f32
    %add3A_16 = arith.addf %mul3A_13, %mul3A_15 : f32
    %reshape3A = vector.broadcast %add3A_16 : f32 to vector<1x1xf32>
    %swap3A_17 = arith.constant 0 : index
    %swap3A_18 = arith.constant 0 : index
    %swap3A_19 = vector.load %arg4[%swap3A_17, %swap3A_18] : memref<1x1xf32, #tpu.memory_space<vmem>>, vector<1x1xf32>
    tpu.vector_store %arg4[%swap3A_17, %swap3A_18], %reshape3A {strides = array<i32>} : memref<1x1xf32, #tpu.memory_space<vmem>>, vector<1x1xf32>,
    %get3A_20 = arith.constant 0 : index
    %get3A_21 = arith.constant 0 : index
    %get3A_22 = vector.load %arg2[%get3A_20, %get3A_21] : memref<8192x128xf32, #tpu.memory_space<vmem>>, vector<8192x128xf32>
    %slice3A_23 = vector.extract_strided_slice %get3A_22 {offsets = [0, 0], sizes = [8192, 1], strides = [1, 1]} : vector<8192x128xf32> to vector<8192x1xf32>
    %mul3A_24 = arith.constant 6.10351563E-5 : f32
    %mul3A_25 = vector.broadcast %mul3A_24 : f32 to vector<8192x1xf32>
    %mul3A_26 = arith.mulf %slice3A_23, %mul3A_25 : vector<8192x1xf32>
    %add3A_27 = arith.constant 1.000000e-10 : f32
    %add3A_28 = vector.broadcast %add3A_27 : f32 to vector<8192x1xf32>
    %add3A_29 = arith.addf %mul3A_26, %add3A_28 : vector<8192x1xf32>
    %log3A = math.log %add3A_29 : vector<8192x1xf32>
    %mul3A_30 = arith.mulf %mul3A_26, %log3A : vector<8192x1xf32>
    %reduce_sum3A_31 = vector.shape_cast %mul3A_30 : vector<8192x1xf32> to vector<1x8192x1xf32>
    %reduce_sum3A_32 = arith.constant dense<0.000000e+00> : vector<1xf32>
    %reduce_sum3A_33 = vector.multi_reduction <add>, %reduce_sum3A_31, %reduce_sum3A_32 [1, 2] : vector<1x8192x1xf32> to vector<1xf32>
    %reduce_sum3A_34 = vector.shape_cast %reduce_sum3A_33 : vector<1xf32> to vector<1x1x1xf32>
    %reduce_sum3A_35 = vector.extract %reduce_sum3A_34[0, 0, 0] : f32 from vector<1x1x1xf32>
    %neg3A = arith.constant 0.000000e+00 : f32
    %neg3A_36 = arith.subf %neg3A, %reduce_sum3A_35 : f32
    %exp3A = math.exp %neg3A_36 : f32
    %reshape3A_37 = vector.broadcast %exp3A : f32 to vector<1x1xf32>
    %swap3A_38 = arith.constant 0 : index
    %swap3A_39 = arith.constant 0 : index
    %swap3A_40 = vector.load %arg5[%swap3A_38, %swap3A_39] : memref<1x1xf32, #tpu.memory_space<vmem>>, vector<1x1xf32>
    tpu.vector_store %arg5[%swap3A_38, %swap3A_39], %reshape3A_37 {strides = array<i32>} : memref<1x1xf32, #tpu.memory_space<vmem>>, vector<1x1xf32>,
    return
  }
}

</mosaic_0001>

<sc_bundles>
// kernel: kernel.5.cloned.1.call-start
scs
__scs_entry_jumppad:
0x0: {  	(pc) =	sbr.rel $0x88, $3  }
0x1: {  	(tag) =	ssettag $0x0;
	lr =	simm.s32 $0x1  }
0x2: {  	[smem:$0x3F9F] =	sst lr;
	_ =	strace $0xD0000000  }
0x3: {  	_ = 	snop  }
0x4: {  	_ = 	snop  }
0x5: {  	_ = 	snop  }
0x6: {  	_ = 	snop  }
0x7: {  	_ = 	snop  }
__scs_overlays_trampoline_lowered:
0x8: {  	[smem:$0x3FAE] =	sst s0  }
0x9: {  	[smem:$0x3FAF] =	sst s1  }
0xa: {  	[smem:$0x3FB0] =	sst s2  }
0xb: {  	[smem:$0x3FB1] =	sst s3  }
0xc: {  	[smem:$0x3FB2] =	sst s4  }
0xd: {  	[smem:$0x3FB3] =	sst s5  }
0xe: {  	[smem:$0x3FB4] =	sst s6  }
0xf: {  	[smem:$0x3FB5] =	sst s7  }
0x10: {  	[smem:$0x3FB6] =	sst s8  }
0x11: {  	[smem:$0x3FB7] =	sst s9;
	s0 =	simm.s32 @!p0 $0x0  }
0x12: {  	s1 =	sld [smem:$0x3F9D];
	s0 =	simm.s32 @p0 $0x1  }
0x13: {  	[smem:$0x3FB8] =	sst s0;
	s0 =	simm.s32 @!p1 $0x0  }
0x14: {  	s2 =	sld [smem:$0x3F9C];
	s0 =	simm.s32 @p1 $0x1  }
0x15: {  	[smem:$0x3FB9] =	sst s0;
	s0 =	simm.s32 @!p2 $0x0  }
0x16: {  	s3 =	sld [smem:$0x3FDB];
	s0 =	simm.s32 @p2 $0x1  }
0x17: {  	s4 =	simm.s32 $0x1BF5;
	[smem:$0x3FBB] =	sst s0  }
0x18: {  	s0 =	sld [smem:$0x3F9E];
	_ =	swait.ge [sflag:s4], $0x0  }
0x19: {  	s7 =	sld [smem:$0x3F9F]  }
0x1a: {  	s8 =	sadd.s32 $0xFFFFE003, lr  }
0x1b: {  	s9 =	sadd.s32 $0xFFFFFEF7, lr;
	s5 =	simm.s32 $0xFFFFFFFF;
	p2 =	slt.u32 s8, $0xFFFFF086  }
0x1c: {  	p1 =	slt.u32 s9, $0xF7A;
	s5 =	simm.s32 @!p2 $0x0  }
0x1d: {  	s5 =	simm.s32 @p1 $0x1;
	p0 =	seq.s32 s7, s2  }
0x1e: {  	s7 =	smul.u32 @!p0 $0xF7A, s2;
	p2 =	seq.s32 @!p0 s5, $0x0  }
0x1f: {  	s9 =	smul.u32 $0xF7A, s1;
	s8 =	simm.s32 @!p0 $0x1BF5;
	p2 =	por !p2, p0  }
0x20: {  	[sflag:s8] =	ssyncset.s32 @!p0 $0xFFFFF086;
	s6 =	sadd.s32 @!p0 s3, s7;
	s7 =	simm.s32 @!p0 $0x108  }
0x21: {  	s3 =	sadd.s32 s3, s9;
	s6 =	sadd.s32 @!p0 $0x88, s6;
	s7 =	simm.s32 @p2 $0x1082  }
0x22: {  	[simem:s7], [sflag:s8] =	dma.local @!p0 [hbm:s6], $0xF7A  }
0x23: {  	s9 =	sor.u32 $0xD0000000, s2;
	s6 =	simm.s32 $0x108;
	_ =	swait.ge @!p0 [sflag:s8], $0x0  }
0x24: {  	s3 =	sadd.s32 $0x88, s3;
	s6 =	simm.s32 @!p1 $0x1082;
	[sflag:s4] =	ssyncset.s32 $0xFFFFF086  }
0x25: {  	[simem:s6], [sflag:s4] =	dma.local [hbm:s3], $0xF7A  }
0x26: {  	[smem:$0x3F9F] =	sst s1;
	(tag) =	ssettag s2;
	_ =	strace s9  }
0x27: {  	s1 =	sld [smem:$0x3FAF]  }
0x28: {  	s2 =	sld [smem:$0x3FB0]  }
0x29: {  	s4 =	sld [smem:$0x3FB2]  }
0x2a: {  	p0 =	seq.s32 s5, $0x0;
	s5 =	sld [smem:$0x3FB3]  }
0x2b: {  	s6 =	sld [smem:$0x3FB4]  }
0x2c: {  	s7 =	sld [smem:$0x3FB5]  }
0x2d: {  	s3 =	simm.s32 $0x108;
	s8 =	sld [smem:$0x3FB6]  }
0x2e: {  	s3 =	simm.s32 @!p0 $0x1082;
	s9 =	sld [smem:$0x3FB7]  }
0x2f: {  	lr =	sadd.s32 s0, s3;
	s0 =	sld [smem:$0x3FAE]  }
0x30: {  	s3 =	sld [smem:$0x3FB1]  }
0x31: {  	[smem:$0x3FBA] =	sst s10  }
0x32: {  	s10 =	sld [smem:$0x3FB8];
	_ =	sdelay $0x3  }
0x33: {  	p0 =	seq.s32 s10, $0x1;
	s10 =	sld [smem:$0x3FBA];
	_ =	sdelay $0x3  }
0x34: {  	[smem:$0x3FBA] =	sst s10  }
0x35: {  	s10 =	sld [smem:$0x3FB9];
	_ =	sdelay $0x3  }
0x36: {  	p1 =	seq.s32 s10, $0x1;
	s10 =	sld [smem:$0x3FBA];
	_ =	sdelay $0x3  }
0x37: {  	[smem:$0x3FBA] =	sst s10  }
0x38: {  	s10 =	sld [smem:$0x3FBB]  }
0x39: {  	_ = 	snop;
	(pc) =	sbr.ind lr, $3  }
0x3a: {  	_ = 	snop  }
0x3b: {  	_ = 	snop  }
0x3c: {  	p2 =	seq.s32 s10, $0x1;
	s10 =	sld [smem:$0x3FBA]  }
0x3d: {  	_ =	shalt  }
0x3e: {  	_ =	shalt  }
0x3f: {  	_ =	shalt  }
0x40: {  	_ =	shalt  }
0x41: {  	_ =	shalt  }
0x42: {  	_ =	shalt  }
0x43: {  	_ =	shalt  }
0x44: {  	_ =	shalt  }
0x45: {  	_ =	shalt  }
0x46: {  	_ =	shalt  }
0x47: {  	_ =	shalt  }
0x48: {  	_ =	shalt  }
0x49: {  	_ =	shalt  }
0x4a: {  	_ =	shalt  }
0x4b: {  	_ =	shalt  }
0x4c: {  	_ =	shalt  }
0x4d: {  	_ =	shalt  }
0x4e: {  	_ =	shalt  }
0x4f: {  	_ =	shalt  }
0x50: {  	_ =	shalt  }
0x51: {  	_ =	shalt  }
0x52: {  	_ =	shalt  }
0x53: {  	_ =	shalt  }
0x54: {  	_ =	shalt  }
0x55: {  	_ =	shalt  }
0x56: {  	_ =	shalt  }
0x57: {  	_ =	shalt  }
0x58: {  	_ =	shalt  }
0x59: {  	_ =	shalt  }
0x5a: {  	_ =	shalt  }
0x5b: {  	_ =	shalt  }
0x5c: {  	_ =	shalt  }
0x5d: {  	_ =	shalt  }
0x5e: {  	_ =	shalt  }
0x5f: {  	_ =	shalt  }
0x60: {  	_ =	shalt  }
0x61: {  	_ =	shalt  }
0x62: {  	_ =	shalt  }
0x63: {  	_ =	shalt  }
0x64: {  	_ =	shalt  }
0x65: {  	_ =	shalt  }
0x66: {  	_ =	shalt  }
0x67: {  	_ =	shalt  }
0x68: {  	_ =	shalt  }
0x69: {  	_ =	shalt  }
0x6a: {  	_ =	shalt  }
0x6b: {  	_ =	shalt  }
0x6c: {  	_ =	shalt  }
0x6d: {  	_ =	shalt  }
0x6e: {  	_ =	shalt  }
0x6f: {  	_ =	shalt  }
0x70: {  	_ =	shalt  }
0x71: {  	_ =	shalt  }
0x72: {  	_ =	shalt  }
0x73: {  	_ =	shalt  }
0x74: {  	_ =	shalt  }
0x75: {  	_ =	shalt  }
0x76: {  	_ =	shalt  }
0x77: {  	_ =	shalt  }
0x78: {  	_ =	shalt  }
0x79: {  	_ =	shalt  }
0x7a: {  	_ =	shalt  }
0x7b: {  	_ =	shalt  }
0x7c: {  	_ =	shalt  }
0x7d: {  	_ =	shalt  }
0x7e: {  	_ =	shalt  }
0x7f: {  	_ =	shalt  }
0x80: {  	_ =	shalt  }
0x81: {  	_ =	shalt  }
0x82: {  	_ =	shalt  }
0x83: {  	_ =	shalt  }
0x84: {  	_ =	shalt  }
0x85: {  	_ =	shalt  }
0x86: {  	_ =	shalt  }
0x87: {  	_ =	shalt  }
.Lfunc_end0:
.L_simem_size_0:
called_computation_lowered:
.L_overlay_start_0:
0x88: {  	s2 =	sld [smem:$0x3FD9]  }
0x89: {  	s3 =	sld [smem:$0x3FFE];
	_ =	sdelay $0x1  }
0x8a: {  	s1 =	srdreg.scid  }
0x8b: {  	s0 =	sand.u32 $0x1, s1  }
0x8c: {  	s14 =	sshll.u32 s0, $0xA;
	s2 =	sadd.s32 s3, s2  }
0x8d: {  	s2 =	sadd.s32 s2, s14  }
0x8e: {  	[smem:$0x3FC6] =	sst s2  }
0x8f: {  	_ = 	snop  }
0x90: {  	s2 =	sld [smem:$0x3FD0];
	_ =	sdelay $0x2  }
0x91: {  	s15 =	simm.s32 $0xA;
	s4 =	simm.s32 $0x10  }
0x92: {  	[smem:s4], [sflag:s15] =	dma.local [hbm:s2], $0x1  }
0x93: {  	_ =	swait.eq [sflag:s15], $0x1  }
0x94: {  	[sflag:s15] =	ssyncset.done $0x0  }
0x95: {  	[sflag:s15] =	ssyncadd.s32 $0xFFFFFFFF  }
0x96: {  	s16 =	sld [smem:$0x11];
	(tm) =	ssettm $0x1  }
0x97: {  	s17 =	sld [smem:$0x3FFB];
	_ =	sdelay $0x3  }
0x98: {  	_ =	strace s17  }
0x99: {  	s3 =	sld [smem:$0x3FFC];
	_ =	sdelay $0x3  }
0x9a: {  	_ =	strace s3  }
0x9b: {  	s3 =	sld [smem:$0x3FFD];
	_ =	sdelay $0x3  }
0x9c: {  	_ =	strace s3  }
0x9d: {  	_ =	strace $0x8FFFFFFF  }
0x9e: {  	s18 =	sld [smem:$0x3FDB];
	_ =	sdelay $0x1  }
0x9f: {  	s19 =	simm.s32 $_scs_section_size  }
0xa0: {  	s5 =	simm.s32 $_size__tile_overlayer_lowered;
	s6 =	simm.s32 $_tile_overlayer_lowered  }
0xa1: {  	s22 =	simm.s32 $0x1BFF;
	s21 =	sshll.u32 s6, $0x1;
	s3 =	sadd.s32 s19, s18  }
0xa2: {  	s7 =	simm.s32 $0x0;
	s20 =	sshll.u32 s5, $0x1;
	s5 =	sadd.s32 s21, s3  }
0xa3: {  	[timem:s7], [sflag:s22] =	dma.local [hbm:s5], s20  }
0xa4: {  	_ =	swait.ge [sflag:s22], s20  }
0xa5: {  	s4 =	ssub.s32 $0x0, s20;
	[sflag:s22] =	ssyncset.done $0x0  }
0xa6: {  	[sflag:s22] =	ssyncadd.s32 s4;
	_ =	sdelay $0x1  }
0xa7: {  	s23 =	simm.s32 $0x1B8B  }
0xa8: {  	_ =	swait.ge [sflag:s23], $0x1  }
0xa9: {  	[sflag:s23] =	ssyncset.done $0x0  }
0xaa: {  	s25 =	simm.s32 $0x1B8E;
	s24 =	sld [smem:$0x3FFE];
	[sflag:s23] =	ssyncadd.s32 $0xFFFFFFFF  }
0xab: {  	s26 =	simm.s32 $execute0_lowered;
	[smem:$0x3FD2] =	sst s25  }
0xac: {  	s5 =	sshll.u32 s26, $0x1;
	_ =	strace $0x80000046;
	[dreg:$0x1] =	wrdreg $0xFFFFFFFF  }
0xad: {  	s28 =	simm.s32 $_size_execute0_lowered;
	s3 =	sadd.s32 s3, s5;
	[dreg:$0x0] =	wrdreg $0x0  }
0xae: {  	s5 =	sshll.u32 s28, $0x1;
	[dreg:$0x2] =	wrdreg s3  }
0xaf: {  	[dreg:$0x3] =	wrdreg s5  }
0xb0: {  	[dreg:$0x4] =	wrdreg $0xC0  }
0xb1: {  	_ =	task [dreg:s7], $0x5FFFF  }
0xb2: {  	[dreg:$0x1] =	wrdreg $0xFFFFFFFF  }
0xb3: {  	[dreg:$0x0] =	wrdreg $0x60  }
0xb4: {  	[dreg:$0x2] =	wrdreg s24  }
0xb5: {  	[dreg:$0x3] =	wrdreg s16  }
0xb6: {  	[dreg:$0x4] =	wrdreg $0x86000  }
0xb7: {  	[dreg:$0x5] =	wrdreg $0x9  }
0xb8: {  	_ =	task.clear_ibuf [dreg:s7], $0x6FFFF;
	_ =	strace $0x90000046  }
0xb9: {  	s29 =	simm.s32 $0x9;
	_ =	strace $0x80000048  }
0xba: {  	_ =	swait.ge [sflag:s29], $0x1  }
0xbb: {  	[sflag:s29] =	ssyncadd.s32 $0xFFFFFFFF  }
0xbc: {  	_ =	strace $0x90000048  }
0xbd: {  	_ =	sfence  }
0xbe: {  	s30 =	sld [smem:$0x0];
	_ =	sdelay $0x2  }
0xbf: {  	s31 =	sshll.u32 s1, $0xD;
	s1 =	sshrl.u32 s1, $0x2  }
0xc0: {  	s3 =	sand.u32 $0x4000, s31;
	s1 =	sadd.s32 s1, s30  }
0xc1: {  	s0 =	sor.u32 s3, s0;
	s1 =	sshll.u32 s1, $0x11  }
0xc2: {  	s0 =	sor.u32 s1, s0  }
0xc3: {  	s0 =	sadd.s32 $0x8F2B, s0  }
0xc4: {  	[sflag:s0] =	ssyncadd.remote.s32 $0x1  }
0xc5: {  	_ =	sfence.sel $0xFFFF  }
0xc6: {  	[dreg:$0x0] =	wrdreg $0xFFFFFFFF;
	(pc) =	sbr.abs _section_cstart, $3  }
0xc7: {  	[dreg:$0x1] =	wrdreg $0xFFFFFFFF  }
0xc8: {  	_ =	task.clear_ibuf [dreg:s7], $0x2FFFF;
	_ =	strace $0x9FFFFFFF  }
0xc9: {  	(tm) =	ssettm $0x7FFFFFFF  }
tec
execute0_lowered:
.L_overlay_start_1:
0x0: {  	(tag) =	ssettag $0x1  }
0x1: {  	s0 =	rddreg [dreg:$0x0]  }
0x2: {  	s1 =	rddreg [dreg:$0x1]  }
0x3: {  	s2 =	rddreg [dreg:$0x2];
	s4 =	srdreg.scid;
	s3 =	simm.s32 $0x0  }
0x4: {  	s15 =	stileid.u32;
	s20 =	simm.s32 $0x2;
	s21 =	simm.s32 $0x80  }
0x5: {  	s28 =	simm.s32 $0x100;
	s29 =	simm.s32 $0x180;
	s30 =	simm.s32 $0x4600  }
0x6: {  	s31 =	simm.s32 $0x200;
	s11 =	sand.u32 $0x1, s4;
	[smem:$0x7FF] =	sst s3  }
0x7: {  	s5 =	sshll.u32 s15, $0xE;
	s4 =	sadd.s32 $0x40000, s0;
	s12 =	sshll.u32 s15, $0x7  }
0x8: {  	s10 =	sshll.u32 s15, $0x10;
	s24 =	sshll.u32 s15, $0x9;
	s16 =	sshll.u32 s15, $0xD  }
0x9: {  	s6 =	sshll.u32 s11, $0xD;
	_ =	strace $0x80000047;
	s22 =	ssub.s32 $0x2, s11  }
0xa: {  	s23 =	sshll.u32 s11, $0x6;
	s10 =	sadd.s32 s10, s2;
	s17 =	sor.u32 $0x80, s24  }
0xb: {  	s16 =	sadd.s32 s0, s16;
	s25 =	sor.u32 $0x100, s24;
	p0 =	sne.s32 s11, $0x0  }
0xc: {  	s5 =	sor.u32 s6, s5;
	s7 =	sshrl.u32 s22, $0x1;
	s6 =	sadd.s32 s1, s23  }
0xd: {  	s1 =	sadd.s32 s1, s12;
	s14 =	sadd.s32 $0x8000, s10;
	s15 =	sadd.s32 $0xC000, s10  }
0xe: {  	s18 =	sshll.u32 s17, $0x7;
	s17 =	sshll.u32 s17, $0x4;
	s19 =	sshll.u32 s25, $0x7  }
0xf: {  	s9 =	sadd.s32 s5, s0;
	s13 =	ssub.s32 s22, s7;
	s5 =	sadd.s32 s12, s6  }
0x10: {  	[dreg:$0x4] =	wrdreg s1;
	s23 =	sadd.s32 s18, s2;
	s17 =	sadd.s32 s0, s17  }
0x11: {  	s1 =	sor.u32 $0x180, s24;
	s24 =	sadd.s32 s19, s2;
	s18 =	sshll.u32 s25, $0x4  }
0x12: {  	s22 =	simm.s32 $0x600;
	s6 =	sadd.s32 $0x60000, s9;
	s7 =	sadd.s32 $0x60800, s9  }
.Ltmp0:
0x13: {  	s8 =	sadd.s32 $0x61000, s9;
	s9 =	sadd.s32 $0x61800, s9;
	(pc) =	sbr.rel .LBB2_1-.Ltmp0, $4  }
0x14: {  	s12 =	smax.u32 s13, $0x1;
	s13 =	sadd.s32 $0x4000, s10;
	s26 =	sshll.u32 s1, $0x7  }
0x15: {  	s18 =	sadd.s32 s0, s18;
	s1 =	sshll.u32 s1, $0x4;
	s23 =	sshrl.u32 s23, $0x3  }
0x16: {  	s24 =	sshrl.u32 s24, $0x3;
	s25 =	sadd.s32 s26, s2;
	s19 =	sadd.s32 s0, s1  }
0x17: {  	v0 =	vimm.f32 $0.0e+00;
	v1 =	vimm.f32 $1.000000000e+00;
	s26 =	simm.s32 $0x1;
	s0 =	simm.s32 $0x0;
	s25 =	sshrl.u32 s25, $0x3  }
.LBB2_6:
0x18: {  	[tilespmem:s1+$0x4670] =	vst v1  }
0x19: {  	[tilespmem:s1+$0x4600] =	vst v1  }
0x1a: {  	[tilespmem:s1+$0x4610] =	vst v1  }
0x1b: {  	[tilespmem:s1+$0x4620] =	vst v1  }
0x1c: {  	[tilespmem:s1+$0x4630] =	vst v1  }
0x1d: {  	[tilespmem:s1+$0x4640] =	vst v1  }
0x1e: {  	[tilespmem:s1+$0x4650] =	vst v1  }
0x1f: {  	[tilespmem:s1+$0x4660] =	vst v1  }
0x20: {  	[bflag:$0x0] =	sbarrier.arrive $0xFFFF  }
0x21: {  	[spmem:s2] =	stream.indirect.scatter.add.f32 [tilespmem:s30], [sflag:$0x2], $0x80, s31, s21, $0xb8;
	[tilespmem:$0x18600] =	vst v63  }
0x22: {  	_ =	swait.ge [sflag:s20], $0x4000  }
0x23: {  	[sflag:s20] =	ssyncset.done $0x0  }
0x24: {  	s11 =	simm.s32 $0x280;
	[sflag:s20] =	ssyncadd.s32 $0xFFFFC000  }
0x25: {  	[spmem:s2] =	stream.indirect.scatter.add.f32 [tilespmem:s30], [sflag:$0x2], $0x80, s11, s21, $0xb8;
	[tilespmem:$0x18600] =	vst v63  }
0x26: {  	_ =	swait.ge [sflag:s20], $0x4000  }
0x27: {  	[sflag:s20] =	ssyncset.done $0x0  }
0x28: {  	s11 =	simm.s32 $0x300;
	[sflag:s20] =	ssyncadd.s32 $0xFFFFC000  }
0x29: {  	[spmem:s2] =	stream.indirect.scatter.add.f32 [tilespmem:s30], [sflag:$0x2], $0x80, s11, s21, $0xb8;
	[tilespmem:$0x18600] =	vst v63  }
0x2a: {  	_ =	swait.ge [sflag:s20], $0x4000  }
0x2b: {  	[sflag:s20] =	ssyncset.done $0x0  }
0x2c: {  	s11 =	simm.s32 $0x380;
	[sflag:s20] =	ssyncadd.s32 $0xFFFFC000  }
0x2d: {  	[spmem:s2] =	stream.indirect.scatter.add.f32 [tilespmem:s30], [sflag:$0x2], $0x80, s11, s21, $0xb8;
	[tilespmem:$0x18600] =	vst v63  }
0x2e: {  	_ =	swait.ge [sflag:s20], $0x4000  }
0x2f: {  	[sflag:s20] =	ssyncset.done $0x0  }
0x30: {  	s11 =	simm.s32 $0x400;
	[sflag:s20] =	ssyncadd.s32 $0xFFFFC000  }
0x31: {  	[spmem:s2] =	stream.indirect.scatter.add.f32 [tilespmem:s30], [sflag:$0x2], $0x80, s11, s21, $0xb8;
	[tilespmem:$0x18600] =	vst v63  }
0x32: {  	_ =	swait.ge [sflag:s20], $0x4000  }
0x33: {  	[sflag:s20] =	ssyncset.done $0x0  }
0x34: {  	s11 =	simm.s32 $0x480;
	[sflag:s20] =	ssyncadd.s32 $0xFFFFC000  }
0x35: {  	[spmem:s2] =	stream.indirect.scatter.add.f32 [tilespmem:s30], [sflag:$0x2], $0x80, s11, s21, $0xb8;
	[tilespmem:$0x18600] =	vst v63  }
0x36: {  	_ =	swait.ge [sflag:s20], $0x4000  }
0x37: {  	[sflag:s20] =	ssyncset.done $0x0  }
0x38: {  	s11 =	simm.s32 $0x500;
	[sflag:s20] =	ssyncadd.s32 $0xFFFFC000  }
0x39: {  	[spmem:s2] =	stream.indirect.scatter.add.f32 [tilespmem:s30], [sflag:$0x2], $0x80, s11, s21, $0xb8;
	[tilespmem:$0x18600] =	vst v63  }
0x3a: {  	_ =	swait.ge [sflag:s20], $0x4000  }
0x3b: {  	[sflag:s20] =	ssyncset.done $0x0  }
0x3c: {  	s11 =	simm.s32 $0x580;
	[sflag:s20] =	ssyncadd.s32 $0xFFFFC000  }
0x3d: {  	[spmem:s2] =	stream.indirect.scatter.add.f32 [tilespmem:s30], [sflag:$0x2], $0x80, s11, s21, $0xb8;
	[tilespmem:$0x18600] =	vst v63  }
0x3e: {  	_ =	swait.ge [sflag:s20], $0x4000  }
0x3f: {  	s11 =	stileid.u32;
	[sflag:s20] =	ssyncset.done $0x0  }
0x40: {  	s1 =	sshll.u32 s11, $0x6;
	[sflag:s20] =	ssyncadd.s32 $0xFFFFC000  }
0x41: {  	s11 =	sshrl.u32 s10, $0x3;
	s1 =	sor.u32 $0x1C02, s1;
	[bflag:$0x0] =	sbarrier.arrive $0xFFFF  }
0x42: {  	[hbm:s16], [sflag:s1] =	dma.local [spmem:s11], $0x800  }
0x43: {  	_ =	swait.ge [sflag:s20], $0x800  }
0x44: {  	[sflag:s20] =	ssyncset.done $0x0  }
0x45: {  	[sflag:s20] =	ssyncadd.s32 $0xFFFFF800  }
0x46: {  	[hbm:s17], [sflag:s1] =	dma.local [spmem:s23], $0x800  }
0x47: {  	_ =	swait.ge [sflag:s20], $0x800  }
0x48: {  	[sflag:s20] =	ssyncset.done $0x0  }
0x49: {  	[sflag:s20] =	ssyncadd.s32 $0xFFFFF800  }
0x4a: {  	[hbm:s18], [sflag:s1] =	dma.local [spmem:s24], $0x800  }
0x4b: {  	_ =	swait.ge [sflag:s20], $0x800  }
0x4c: {  	[sflag:s20] =	ssyncset.done $0x0  }
0x4d: {  	[sflag:s20] =	ssyncadd.s32 $0xFFFFF800  }
0x4e: {  	[hbm:s19], [sflag:s1] =	dma.local [spmem:s25], $0x800  }
0x4f: {  	_ =	swait.ge [sflag:s20], $0x800  }
0x50: {  	[sflag:s20] =	ssyncset.done $0x0  }
0x51: {  	[sflag:s20] =	ssyncadd.s32 $0xFFFFF800  }
.LBB2_7:
0x52: {  	s0 =	sadd.s32 $0x1, s0  }
0x53: {  	p1 =	sne.s32 s0, s12  }
.Ltmp1:
0x54: {  	_ = 	snop;
	(pc) =	sbr.rel @!p1 .LBB2_8-.Ltmp1, $1  }
0x55: {  	_ =	sdelay $0x3  }
.LBB2_1:
0x56: {  	[tilespmem:s3], [sflag:$0x2] =	stream.linear.gather [hbm4b:s5+s3], $0x200, $0x38;
	[tilespmem:$0x18600] =	vst v63  }
0x57: {  	_ =	swait.ge [sflag:s20], $0x200  }
0x58: {  	[sflag:s20] =	ssyncset.done $0x0  }
0x59: {  	[sflag:s20] =	ssyncadd.s32 $0xFFFFFE00  }
0x5a: {  	[tilespmem:s22], [sflag:$0x1] =	stream.indirect.gather [hbm4b:s4+s21], $0x80, s3, s21, $0xb8;
	[tilespmem:$0x18600] =	vst v63  }
0x5b: {  	_ =	swait.ge [sflag:s26], $0x4000  }
0x5c: {  	[sflag:s26] =	ssyncset.done $0x0  }
0x5d: {  	[sflag:s26] =	ssyncadd.s32 $0xFFFFC000  }
0x5e: {  	[hbm4b:s6+s3] =	stream.linear.scatter [tilespmem:s22], [sflag:$0x2], $0x4000, $0x38;
	[tilespmem:$0x18600] =	vst v63  }
0x5f: {  	_ =	swait.ge [sflag:s20], $0x4000  }
0x60: {  	[sflag:s20] =	ssyncset.done $0x0  }
0x61: {  	[sflag:s20] =	ssyncadd.s32 $0xFFFFC000  }
0x62: {  	[tilespmem:s22], [sflag:$0x1] =	stream.indirect.gather [hbm4b:s4+s21], $0x80, s21, s21, $0xb8;
	[tilespmem:$0x18600] =	vst v63  }
0x63: {  	_ =	swait.ge [sflag:s26], $0x4000  }
0x64: {  	[sflag:s26] =	ssyncset.done $0x0  }
0x65: {  	[sflag:s26] =	ssyncadd.s32 $0xFFFFC000  }
0x66: {  	[hbm4b:s7+s3] =	stream.linear.scatter [tilespmem:s22], [sflag:$0x2], $0x4000, $0x38;
	[tilespmem:$0x18600] =	vst v63  }
0x67: {  	_ =	swait.ge [sflag:s20], $0x4000  }
0x68: {  	[sflag:s20] =	ssyncset.done $0x0  }
0x69: {  	[sflag:s20] =	ssyncadd.s32 $0xFFFFC000  }
0x6a: {  	[tilespmem:s22], [sflag:$0x1] =	stream.indirect.gather [hbm4b:s4+s21], $0x80, s28, s21, $0xb8;
	[tilespmem:$0x18600] =	vst v63  }
0x6b: {  	_ =	swait.ge [sflag:s26], $0x4000  }
0x6c: {  	[sflag:s26] =	ssyncset.done $0x0  }
0x6d: {  	[sflag:s26] =	ssyncadd.s32 $0xFFFFC000  }
0x6e: {  	[hbm4b:s8+s3] =	stream.linear.scatter [tilespmem:s22], [sflag:$0x2], $0x4000, $0x38;
	[tilespmem:$0x18600] =	vst v63  }
0x6f: {  	_ =	swait.ge [sflag:s20], $0x4000  }
0x70: {  	[sflag:s20] =	ssyncset.done $0x0  }
0x71: {  	[sflag:s20] =	ssyncadd.s32 $0xFFFFC000  }
0x72: {  	[tilespmem:s22], [sflag:$0x1] =	stream.indirect.gather [hbm4b:s4+s21], $0x80, s29, s21, $0xb8;
	[tilespmem:$0x18600] =	vst v63  }
0x73: {  	_ =	swait.ge [sflag:s26], $0x4000  }
0x74: {  	[sflag:s26] =	ssyncset.done $0x0  }
.Ltmp2:
0x75: {  	[sflag:s26] =	ssyncadd.s32 $0xFFFFC000;
	(pc) =	sbr.rel @p0 .LBB2_7-.Ltmp2, $4  }
0x76: {  	[hbm4b:s9+s3] =	stream.linear.scatter [tilespmem:s22], [sflag:$0x2], $0x4000, $0x38;
	[tilespmem:$0x18600] =	vst v63  }
0x77: {  	_ =	swait.ge [sflag:s20], $0x4000  }
0x78: {  	[sflag:s20] =	ssyncset.done $0x0  }
0x79: {  	[sflag:s20] =	ssyncadd.s32 $0xFFFFC000  }
0x7a: {  	s1 =	sshra.s32 s3, $0x2;
	s11 =	sadd.s32 $0x200, s3  }
.LBB2_3:
0x7b: {  	p1 =	sne.s32 s11, $0xFE00;
	[tilespmem:s1+$0x4670] =	vst v0  }
0x7c: {  	[tilespmem:s1+$0x4600] =	vst v0  }
0x7d: {  	[tilespmem:s1+$0x4610] =	vst v0  }
.Ltmp3:
0x7e: {  	[tilespmem:s1+$0x4620] =	vst v0;
	(pc) =	sbr.rel @p1 .LBB2_3-.Ltmp3, $4  }
0x7f: {  	[tilespmem:s1+$0x4630] =	vst v0  }
0x80: {  	[tilespmem:s1+$0x4640] =	vst v0  }
0x81: {  	[tilespmem:s1+$0x4650] =	vst v0  }
0x82: {  	[tilespmem:s1+$0x4660] =	vst v0;
	s1 =	sshra.s32 s11, $0x2;
	s11 =	sadd.s32 $0x200, s11  }
0x83: {  	[tilespmem:s1+$0x4670] =	vst v0  }
0x84: {  	[tilespmem:s1+$0x4600] =	vst v0  }
0x85: {  	[tilespmem:s1+$0x4610] =	vst v0  }
0x86: {  	[tilespmem:s1+$0x4620] =	vst v0  }
0x87: {  	[tilespmem:s1+$0x4630] =	vst v0  }
0x88: {  	[tilespmem:s1+$0x4640] =	vst v0  }
0x89: {  	[tilespmem:s1+$0x4650] =	vst v0  }
0x8a: {  	[tilespmem:s1+$0x4660] =	vst v0  }
0x8b: {  	[spmem:s10] =	stream.linear.scatter [tilespmem:s30], [sflag:$0x2], $0x4000, $0x38;
	[tilespmem:$0x18600] =	vst v63  }
0x8c: {  	_ =	swait.ge [sflag:s20], $0x4000  }
0x8d: {  	[sflag:s20] =	ssyncset.done $0x0  }
0x8e: {  	[sflag:s20] =	ssyncadd.s32 $0xFFFFC000  }
0x8f: {  	[spmem:s13] =	stream.linear.scatter [tilespmem:s30], [sflag:$0x2], $0x4000, $0x38;
	[tilespmem:$0x18600] =	vst v63  }
0x90: {  	_ =	swait.ge [sflag:s20], $0x4000  }
0x91: {  	[sflag:s20] =	ssyncset.done $0x0  }
0x92: {  	[sflag:s20] =	ssyncadd.s32 $0xFFFFC000  }
0x93: {  	[spmem:s14] =	stream.linear.scatter [tilespmem:s30], [sflag:$0x2], $0x4000, $0x38;
	[tilespmem:$0x18600] =	vst v63  }
0x94: {  	_ =	swait.ge [sflag:s20], $0x4000  }
0x95: {  	[sflag:s20] =	ssyncset.done $0x0  }
0x96: {  	[sflag:s20] =	ssyncadd.s32 $0xFFFFC000  }
0x97: {  	[spmem:s15] =	stream.linear.scatter [tilespmem:s30], [sflag:$0x2], $0x4000, $0x38;
	[tilespmem:$0x18600] =	vst v63  }
0x98: {  	_ =	swait.ge [sflag:s20], $0x4000  }
0x99: {  	[sflag:s20] =	ssyncset.done $0x0  }
0x9a: {  	s1 =	simm.s32 $0x0;
	s11 =	rddreg [dreg:$0x4];
	[sflag:s20] =	ssyncadd.s32 $0xFFFFC000  }
0x9b: {  	[tilespmem:s31], [sflag:$0x2] =	stream.linear.gather [hbm4b:s11+s1], $0x400, $0x38;
	[tilespmem:$0x18600] =	vst v63  }
0x9c: {  	_ =	swait.ge [sflag:s20], $0x400  }
0x9d: {  	[sflag:s20] =	ssyncset.done $0x0  }
0x9e: {  	s1 =	simm.s32 $0x0;
	s11 =	simm.s32 $0x200;
	[sflag:s20] =	ssyncadd.s32 $0xFFFFFC00  }
.LBB2_5:
0x9f: {  	p1 =	sne.s32 s11, $0xFE00;
	[tilespmem:s1+$0x4670] =	vst v1  }
0xa0: {  	[tilespmem:s1+$0x4600] =	vst v1  }
0xa1: {  	[tilespmem:s1+$0x4610] =	vst v1  }
.Ltmp4:
0xa2: {  	[tilespmem:s1+$0x4620] =	vst v1;
	(pc) =	sbr.rel @p1 .LBB2_5-.Ltmp4, $4  }
0xa3: {  	[tilespmem:s1+$0x4630] =	vst v1  }
0xa4: {  	[tilespmem:s1+$0x4640] =	vst v1  }
0xa5: {  	[tilespmem:s1+$0x4650] =	vst v1  }
0xa6: {  	[tilespmem:s1+$0x4660] =	vst v1;
	s1 =	sshra.s32 s11, $0x2;
	s11 =	sadd.s32 $0x200, s11  }
.Ltmp5:
0xa7: {  	_ = 	snop;
	(pc) =	sbr.rel .LBB2_6-.Ltmp5, $1  }
0xa8: {  	_ =	sdelay $0x3  }
.LBB2_8:
0xa9: {  	_ =	sfence.sel $0x180000  }
0xaa: {  	[bflag:$0x0] =	sbarrier.arrive $0xFFFF  }
0xab: {  	_ =	strace $0x90000047  }
0xac: {  	s0 =	stileid.u32;
	[bflag:$0x2] =	sbarrier.arrive $0xFFFF  }
0xad: {  	p0 =	sne.s32 s0, $0x0;
	s0 =	rddreg [dreg:$0x3]  }
0xae: {  	s0 =	sadd.s32 @!p0 $0x100000, s0  }
0xaf: {  	[sflag:s0] =	ssyncadd.tile.s32 @!p0 $0x1;
	_ =	shalt  }
.Lfunc_end2:
_tile_overlayer_lowered:
.L_overlay_start_2:
0xb0: {  	(tag) =	ssettag $0x2  }
0xb1: {  	s0 =	rddreg [dreg:$0x0];
	s2 =	stileid.u32  }
0xb2: {  	s1 =	rddreg [dreg:$0x1];
	p0 =	sne.s32 s2, $0x0  }
0xb3: {  	s3 =	rddreg [dreg:$0x2];
	[bflag:$0x3] =	sbarrier.arrive $0xFFFF;
	s2 =	simm.s32 @!p0 $0x1C02  }
0xb4: {  	[timem:s3], [sflag:s2] =	dma.local @!p0 [hbm:s0], s1  }
0xb5: {  	s0 =	simm.s32 @!p0 $0x2  }
0xb6: {  	_ =	swait.ge @!p0 [sflag:s0], s1  }
0xb7: {  	s1 =	ssub.s32 @!p0 $0x0, s1;
	[sflag:s0] =	ssyncset.done @!p0 $0x0  }
0xb8: {  	[sflag:s0] =	ssyncadd.s32 @!p0 s1  }
0xb9: {  	[bflag:$0x3] =	sbarrier.arrive $0xFFFF  }
0xba: {  	_ =	shalt  }

</sc_bundles>
